<compile_context>
chip_gen: v7x
topology: tpu7x:2x2x1
jax: 0.10.2.dev20260603
libtpu: 0.0.44.dev20260713+nightly
codegen_flags: <defaults>
</compile_context>

<pallas_src>
import jax
import jax.numpy as jnp
from jax.experimental import pallas as pl
from jax.experimental.pallas import tpu as pltpu

B_TILE = 256
KA_PER = 8


def _zdec_kernel(phi_ref, x0a_ref, x0b_ref, x1_ref, w1phiT_ref,
                 e0lo_ref, e0hi_ref, e12_ref, dcat2_ref,
                 w2Tq_ref, b2q_ref, w3Tq_ref, b3q_ref, out_ref, phi4b_ref):
    j = pl.program_id(1)

    @pl.when(j == 0)
    def _build_phi_scratch():
        phiW = jnp.dot(phi_ref[...], w1phiT_ref[...],
                       preferred_element_type=jnp.float32)
        phi4 = jnp.concatenate([phiW, phiW, phiW, phiW],
                               axis=-1).astype(jnp.bfloat16)
        phi4b_ref[...] = jnp.broadcast_to(phi4[:, None, :],
                                          (B_TILE, 16, 256))

    phi4b = phi4b_ref[...]
    for t in range(KA_PER):
        s1 = x1_ref[0, j * KA_PER + t]
        cc2 = (x0a_ref[...] * e0lo_ref[...] + x0b_ref[...] * e0hi_ref[...]
               + s1 * e12_ref[...] + dcat2_ref[...]).astype(jnp.bfloat16)
        pre = phi4b + cc2[None, :, :]
        h1 = jnp.maximum(pre, jnp.bfloat16(0)).reshape(B_TILE * 16, 256)
        a2 = jnp.dot(h1, w2Tq_ref[...],
                     preferred_element_type=jnp.float32).astype(jnp.bfloat16)
        h2 = jnp.maximum(a2 + b2q_ref[...], jnp.bfloat16(0))
        o = (jnp.dot(h2, w3Tq_ref[...], preferred_element_type=jnp.float32)
             + b3q_ref[...]).reshape(B_TILE, 16, 64)
        out_ref[:, t * 8:(t + 1) * 8, :] = jnp.concatenate(
            [o[:, :8, :], o[:, 8:, :]], axis=-1)


def kernel(phi, region_params, W1, b1, W2, b2, W3, b3):
    B, PHI = phi.shape
    levels, R, _ = region_params.shape
    H = W2.shape[0]
    O = W3.shape[0]
    K = R ** levels

    x0 = region_params[0, :, 0]
    row_k0 = jnp.concatenate([jnp.arange(0, R, 4), jnp.arange(2, R, 4)])
    x0a = x0[row_k0].reshape(R // 2, 1)
    x0b = x0[row_k0 + 1].reshape(R // 2, 1)
    x1 = region_params[1, :, 0].reshape(1, R)
    w1phiT = W1[:, 2:2 + PHI].T
    e0 = jnp.concatenate([W1[:, 0], W1[:, 1]])
    e1 = jnp.concatenate([W1[:, 1], W1[:, 0]])
    dcat = jnp.concatenate([b1 + W1[:, 2 + PHI], b1 + W1[:, 3 + PHI]])
    z128 = jnp.zeros((2 * H,), jnp.float32)
    e0lo = jnp.concatenate([e0, z128]).reshape(1, 4 * H)
    e0hi = jnp.concatenate([z128, e0]).reshape(1, 4 * H)
    e12 = jnp.concatenate([e1, e1]).reshape(1, 4 * H)
    dcat2 = jnp.concatenate([dcat, dcat]).reshape(1, 4 * H)

    w2T = W2.T
    w3T = W3.T
    Z2 = jnp.zeros((H, H), jnp.float32)
    Z3 = jnp.zeros((H, O), jnp.float32)

    def blkdiag4(M, Zm):
        r1 = jnp.concatenate([M, Zm, Zm, Zm], axis=1)
        r2 = jnp.concatenate([Zm, M, Zm, Zm], axis=1)
        r3 = jnp.concatenate([Zm, Zm, M, Zm], axis=1)
        r4 = jnp.concatenate([Zm, Zm, Zm, M], axis=1)
        return jnp.concatenate([r1, r2, r3, r4], axis=0)

    w2Tq = blkdiag4(w2T, Z2).astype(jnp.bfloat16)
    w3Tq = blkdiag4(w3T, Z3).astype(jnp.bfloat16)
    b2q = jnp.concatenate([b2, b2, b2, b2]).reshape(1, 4 * H).astype(jnp.bfloat16)
    b3q = jnp.concatenate([b3, b3, b3, b3]).reshape(1, 4 * O)

    grid = (B // B_TILE, R // KA_PER)
    out = pl.pallas_call(
        _zdec_kernel,
        grid=grid,
        in_specs=[
            pl.BlockSpec((B_TILE, PHI), lambda i, j: (i, 0)),
            pl.BlockSpec((R // 2, 1), lambda i, j: (0, 0)),
            pl.BlockSpec((R // 2, 1), lambda i, j: (0, 0)),
            pl.BlockSpec(memory_space=pltpu.SMEM),
            pl.BlockSpec((PHI, H), lambda i, j: (0, 0)),
            pl.BlockSpec((1, 4 * H), lambda i, j: (0, 0)),
            pl.BlockSpec((1, 4 * H), lambda i, j: (0, 0)),
            pl.BlockSpec((1, 4 * H), lambda i, j: (0, 0)),
            pl.BlockSpec((1, 4 * H), lambda i, j: (0, 0)),
            pl.BlockSpec((4 * H, 4 * H), lambda i, j: (0, 0)),
            pl.BlockSpec((1, 4 * H), lambda i, j: (0, 0)),
            pl.BlockSpec((4 * H, 4 * O), lambda i, j: (0, 0)),
            pl.BlockSpec((1, 4 * O), lambda i, j: (0, 0)),
        ],
        out_specs=pl.BlockSpec((B_TILE, KA_PER * 8, 8 * O),
                               lambda i, j: (i, j, 0)),
        out_shape=jax.ShapeDtypeStruct((B, K // 4, 8 * O), jnp.float32),
        scratch_shapes=[pltpu.VMEM((B_TILE, 16, 256), jnp.bfloat16)],
        compiler_params=pltpu.CompilerParams(
            dimension_semantics=("parallel", "arbitrary")),
        interpret=False,
    )(phi, x0a, x0b, x1, w1phiT, e0lo, e0hi, e12, dcat2, w2Tq, b2q, w3Tq, b3q)
    return out.reshape(B, K, 2 * O)

# --- scband reference (transcript-rebuilt; emitter-appended) ---
"""Pipeline reference for scband-zdecoder-68264210202791 (READ-ONLY COPY).

The authoritative reference and input builder live on the scoring server;
editing this copy changes nothing except your own understanding.
"""

import jax, jax.numpy as jnp
import numpy as np

LEVELS = 2
REGIONS = 32
LATENT_DIM = 2
PHI_SIZE = 16
OUT_SIZE = 16
HIDDEN = 64
BATCH = 512
Z_SIZE = LATENT_DIM // LEVELS  # 1 (required: inner vmap pairs levels*z_size with levels)
IN_MLP = LATENT_DIM + PHI_SIZE + LEVELS  # in_size + levels from original code = 20


def _init_linear(k, fan_in, fan_out):
    lim = 1.0 / np.sqrt(fan_in)
    kw, kb = jax.random.split(k)
    W = jax.random.uniform(kw, (fan_out, fan_in), minval=-lim, maxval=lim, dtype=jnp.float32)
    b = jax.random.uniform(kb, (fan_out,), minval=-lim, maxval=lim, dtype=jnp.float32)
    return W, b


def setup_inputs(seed: int = 0) -> dict:
    key = jax.random.key(seed)
    ks = jax.random.split(key, 5)
    phi = jax.random.normal(ks[0], (BATCH, PHI_SIZE), dtype=jnp.float32)
    region_params = jax.random.normal(ks[1], (LEVELS, REGIONS, Z_SIZE), dtype=jnp.float32)
    W1, b1 = _init_linear(ks[2], IN_MLP, HIDDEN)
    W2, b2 = _init_linear(ks[3], HIDDEN, HIDDEN)
    W3, b3 = _init_linear(ks[4], HIDDEN, OUT_SIZE)
    return {"phi": phi, "region_params": region_params, "W1": W1, "b1": b1, "W2": W2, "b2": b2, "W3": W3, "b3": b3}


def _build_regions(X):
    levels, regions, z_size = X.shape
    grids = jnp.meshgrid(*([jnp.arange(regions)] * levels), indexing='ij')
    i = jnp.stack(grids, axis=0)  # (levels, R, ..., R) == jnp.mgrid
    iT = jnp.transpose(i, axes=tuple(range(i.ndim - 1, -1, -1)))  # i.T
    V = X[jnp.arange(levels), iT]  # (R, ..., R, levels, z_size) via gather
    return V.reshape(-1, levels * z_size, z_size)  # (K=R^levels, levels, z_size)


def reference(phi, region_params, W1, b1, W2, b2, W3, b3):
    levels, regions, z_size = region_params.shape
    phi = phi.reshape(phi.shape[0], -1)
    B = phi.shape[0]
    idx_vecs = jnp.eye(levels, dtype=phi.dtype)
    zs = _build_regions(region_params)           # (K, levels, z)
    future = jnp.roll(zs, -1, axis=1)
    x = jnp.concatenate([zs, future], axis=-1)   # (K, levels, 2z)
    K = x.shape[0]
    x_b = jnp.broadcast_to(x[None, :, :, :], (B, K, levels, x.shape[-1]))
    phi_b = jnp.broadcast_to(phi[:, None, None, :], (B, K, levels, phi.shape[-1]))
    idx_b = jnp.broadcast_to(idx_vecs[None, None, :, :], (B, K, levels, levels))
    inp = jnp.concatenate([x_b, phi_b, idx_b], axis=-1)  # (B, K, levels, IN_MLP)
    h = jax.nn.relu(inp @ W1.T + b1)
    h = jax.nn.relu(h @ W2.T + b2)
    out = h @ W3.T + b3                          # (B, K, levels, OUT_SIZE)
    qs = out.reshape(B, K, -1)                   # (B, K, levels*OUT_SIZE)
    return qs

if __name__ == "__main__":
    import jax
    _d = setup_inputs()
    print(jax.jit(kernel)(*tuple(_d.values())))

</pallas_src>

<mosaic_0001>
module attributes {stable_mosaic.version = 14 : i64} {
  func.func @_zdec_kernel(%arg0: i32, %arg1: i32, %arg2: memref<256x16xf32, #tpu.memory_space<vmem>>, %arg3: memref<16x1xf32, #tpu.memory_space<vmem>>, %arg4: memref<16x1xf32, #tpu.memory_space<vmem>>, %arg5: memref<1x32xf32, #tpu.memory_space<smem>>, %arg6: memref<16x64xf32, #tpu.memory_space<vmem>>, %arg7: memref<1x256xf32, #tpu.memory_space<vmem>>, %arg8: memref<1x256xf32, #tpu.memory_space<vmem>>, %arg9: memref<1x256xf32, #tpu.memory_space<vmem>>, %arg10: memref<1x256xf32, #tpu.memory_space<vmem>>, %arg11: memref<256x256xbf16, #tpu.memory_space<vmem>>, %arg12: memref<1x256xbf16, #tpu.memory_space<vmem>>, %arg13: memref<256x64xbf16, #tpu.memory_space<vmem>>, %arg14: memref<1x64xf32, #tpu.memory_space<vmem>>, %arg15: memref<256x64x128xf32, #tpu.memory_space<vmem>>, %arg16: memref<256x16x256xbf16, #tpu.memory_space<vmem>>) attributes {dimension_semantics = [#tpu.dimension_semantics<parallel>, #tpu.dimension_semantics<arbitrary>], iteration_bounds = array<i64: 2, 4>, scalar_prefetch = 0 : i64, scratch_operands = 1 : i64, tpu.core_type = #tpu.core_type<tc>, window_params = [{transform_indices = @transform_0, window_bounds = array<i64: 256, 16>}, {pipeline_mode = #tpu.pipeline_mode<synchronous>, transform_indices = @transform_1, window_bounds = array<i64: 16, 1>}, {pipeline_mode = #tpu.pipeline_mode<synchronous>, transform_indices = @transform_2, window_bounds = array<i64: 16, 1>}, {transform_indices = @transform_3, window_bounds = array<i64: 1, 32>}, {pipeline_mode = #tpu.pipeline_mode<synchronous>, transform_indices = @transform_4, window_bounds = array<i64: 16, 64>}, {pipeline_mode = #tpu.pipeline_mode<synchronous>, transform_indices = @transform_5, window_bounds = array<i64: 1, 256>}, {pipeline_mode = #tpu.pipeline_mode<synchronous>, transform_indices = @transform_6, window_bounds = array<i64: 1, 256>}, {pipeline_mode = #tpu.pipeline_mode<synchronous>, transform_indices = @transform_7, window_bounds = array<i64: 1, 256>}, {pipeline_mode = #tpu.pipeline_mode<synchronous>, transform_indices = @transform_8, window_bounds = array<i64: 1, 256>}, {pipeline_mode = #tpu.pipeline_mode<synchronous>, transform_indices = @transform_9, window_bounds = array<i64: 256, 256>}, {pipeline_mode = #tpu.pipeline_mode<synchronous>, transform_indices = @transform_10, window_bounds = array<i64: 1, 256>}, {pipeline_mode = #tpu.pipeline_mode<synchronous>, transform_indices = @transform_11, window_bounds = array<i64: 256, 64>}, {pipeline_mode = #tpu.pipeline_mode<synchronous>, transform_indices = @transform_12, window_bounds = array<i64: 1, 64>}, {transform_indices = @transform_13, window_bounds = array<i64: 256, 64, 128>}]} {
    %eq3A = arith.constant 0 : i32
    %eq3A_0 = arith.cmpi eq, %arg1, %eq3A : i32
    %convert_element_type3A = arith.extui %eq3A_0 : i1 to i32
    %cond3A = arith.constant 0 : i32
    %cond3A_1 = arith.cmpi ne, %convert_element_type3A, %cond3A : i32
    scf.if %cond3A_1 {
      %get3A_620 = arith.constant 0 : index
      %get3A_621 = arith.constant 0 : index
      %get3A_622 = vector.load %arg2[%get3A_620, %get3A_621] : memref<256x16xf32, #tpu.memory_space<vmem>>, vector<256x16xf32>
      %get3A_623 = arith.constant 0 : index
      %get3A_624 = arith.constant 0 : index
      %get3A_625 = vector.load %arg6[%get3A_623, %get3A_624] : memref<16x64xf32, #tpu.memory_space<vmem>>, vector<16x64xf32>
      %dot_general3A_626 = arith.constant dense<0.000000e+00> : vector<256x64xf32>
      %dot_general3A_627 = tpu.matmul %get3A_622, %get3A_625, %dot_general3A_626 {dimension_numbers = #tpu.dot_dimension_numbers<[1], [0], [0], [1], [0, 0, 1, 1], [], []>, transpose_lhs_hint = false} : vector<256x16xf32>, vector<16x64xf32>, vector<256x64xf32> -> vector<256x64xf32>
      %concatenate3A_628 = tpu.concatenate %dot_general3A_627, %dot_general3A_627, %dot_general3A_627, %dot_general3A_627 in 1 : vector<256x64xf32>, vector<256x64xf32>, vector<256x64xf32>, vector<256x64xf32> -> vector<256x256xf32>
      %convert_element_type3A_629 = arith.truncf %concatenate3A_628 : vector<256x256xf32> to vector<256x256xbf16>
      %broadcast_in_dim3A_630 = vector.shape_cast %convert_element_type3A_629 : vector<256x256xbf16> to vector<256x1x256xbf16>
      %broadcast_in_dim3A_631 = vector.shape_cast %broadcast_in_dim3A_630 : vector<256x1x256xbf16> to vector<256x1x256xbf16>
      %broadcast_in_dim3A_632 = vector.broadcast %broadcast_in_dim3A_631 : vector<256x1x256xbf16> to vector<256x16x256xbf16>
      %swap3A_633 = arith.constant 0 : index
      %swap3A_634 = arith.constant 0 : index
      %swap3A_635 = arith.constant 0 : index
      %swap3A_636 = vector.load %arg16[%swap3A_633, %swap3A_634, %swap3A_635] : memref<256x16x256xbf16, #tpu.memory_space<vmem>>, vector<256x16x256xbf16>
      tpu.vector_store %arg16[%swap3A_633, %swap3A_634, %swap3A_635], %broadcast_in_dim3A_632 {strides = array<i32>} : memref<256x16x256xbf16, #tpu.memory_space<vmem>>, vector<256x16x256xbf16>,
    } else {
    }
    %get3A = arith.constant 0 : index
    %get3A_2 = arith.constant 0 : index
    %get3A_3 = arith.constant 0 : index
    %get3A_4 = vector.load %arg16[%get3A, %get3A_2, %get3A_3] : memref<256x16x256xbf16, #tpu.memory_space<vmem>>, vector<256x16x256xbf16>
    %mul3A = arith.constant 8 : i32
    %mul3A_5 = arith.muli %arg1, %mul3A : i32
    %add3A = arith.constant 0 : i32
    %add3A_6 = arith.addi %mul3A_5, %add3A : i32
    %get3A_7 = arith.constant 0 : index
    %get3A_8 = arith.index_cast %add3A_6 : i32 to index
    %get3A_9 = memref.load %arg5[%get3A_7, %get3A_8] : memref<1x32xf32, #tpu.memory_space<smem>>
    %get3A_10 = arith.constant 0 : index
    %get3A_11 = arith.constant 0 : index
    %get3A_12 = vector.load %arg3[%get3A_10, %get3A_11] : memref<16x1xf32, #tpu.memory_space<vmem>>, vector<16x1xf32>
    %get3A_13 = arith.constant 0 : index
    %get3A_14 = arith.constant 0 : index
    %get3A_15 = vector.load %arg7[%get3A_13, %get3A_14] : memref<1x256xf32, #tpu.memory_space<vmem>>, vector<1x256xf32>
    %mul3A_16 = vector.broadcast %get3A_12 : vector<16x1xf32> to vector<16x256xf32>
    %mul3A_17 = vector.broadcast %get3A_15 : vector<1x256xf32> to vector<16x256xf32>
    %mul3A_18 = arith.mulf %mul3A_16, %mul3A_17 : vector<16x256xf32>
    %get3A_19 = arith.constant 0 : index
    %get3A_20 = arith.constant 0 : index
    %get3A_21 = vector.load %arg4[%get3A_19, %get3A_20] : memref<16x1xf32, #tpu.memory_space<vmem>>, vector<16x1xf32>
    %get3A_22 = arith.constant 0 : index
    %get3A_23 = arith.constant 0 : index
    %get3A_24 = vector.load %arg8[%get3A_22, %get3A_23] : memref<1x256xf32, #tpu.memory_space<vmem>>, vector<1x256xf32>
    %mul3A_25 = vector.broadcast %get3A_21 : vector<16x1xf32> to vector<16x256xf32>
    %mul3A_26 = vector.broadcast %get3A_24 : vector<1x256xf32> to vector<16x256xf32>
    %mul3A_27 = arith.mulf %mul3A_25, %mul3A_26 : vector<16x256xf32>
    %add3A_28 = arith.addf %mul3A_18, %mul3A_27 : vector<16x256xf32>
    %get3A_29 = arith.constant 0 : index
    %get3A_30 = arith.constant 0 : index
    %get3A_31 = vector.load %arg9[%get3A_29, %get3A_30] : memref<1x256xf32, #tpu.memory_space<vmem>>, vector<1x256xf32>
    %mul3A_32 = vector.broadcast %get3A_9 : f32 to vector<1x256xf32>
    %mul3A_33 = arith.mulf %mul3A_32, %get3A_31 : vector<1x256xf32>
    %add3A_34 = vector.broadcast %mul3A_33 : vector<1x256xf32> to vector<16x256xf32>
    %add3A_35 = arith.addf %add3A_28, %add3A_34 : vector<16x256xf32>
    %get3A_36 = arith.constant 0 : index
    %get3A_37 = arith.constant 0 : index
    %get3A_38 = vector.load %arg10[%get3A_36, %get3A_37] : memref<1x256xf32, #tpu.memory_space<vmem>>, vector<1x256xf32>
    %add3A_39 = vector.broadcast %get3A_38 : vector<1x256xf32> to vector<16x256xf32>
    %add3A_40 = arith.addf %add3A_35, %add3A_39 : vector<16x256xf32>
    %convert_element_type3A_41 = arith.truncf %add3A_40 : vector<16x256xf32> to vector<16x256xbf16>
    %broadcast_in_dim3A = vector.shape_cast %convert_element_type3A_41 : vector<16x256xbf16> to vector<1x16x256xbf16>
    %add3A_42 = vector.broadcast %broadcast_in_dim3A : vector<1x16x256xbf16> to vector<256x16x256xbf16>
    %add3A_43 = arith.addf %get3A_4, %add3A_42 : vector<256x16x256xbf16>
    %max3A = arith.constant 0.000000e+00 : bf16
    %max3A_44 = vector.broadcast %max3A : bf16 to vector<256x16x256xbf16>
    %max3A_45 = arith.maximumf %add3A_43, %max3A_44 : vector<256x16x256xbf16>
    %reshape3A = vector.shape_cast %max3A_45 : vector<256x16x256xbf16> to vector<4096x256xbf16>
    %get3A_46 = arith.constant 0 : index
    %get3A_47 = arith.constant 0 : index
    %get3A_48 = vector.load %arg11[%get3A_46, %get3A_47] : memref<256x256xbf16, #tpu.memory_space<vmem>>, vector<256x256xbf16>
    %dot_general3A = arith.constant dense<0.000000e+00> : vector<4096x256xf32>
    %dot_general3A_49 = tpu.matmul %reshape3A, %get3A_48, %dot_general3A {dimension_numbers = #tpu.dot_dimension_numbers<[1], [0], [0], [1], [0, 0, 1, 1], [], []>, transpose_lhs_hint = false} : vector<4096x256xbf16>, vector<256x256xbf16>, vector<4096x256xf32> -> vector<4096x256xf32>
    %convert_element_type3A_50 = arith.truncf %dot_general3A_49 : vector<4096x256xf32> to vector<4096x256xbf16>
    %get3A_51 = arith.constant 0 : index
    %get3A_52 = arith.constant 0 : index
    %get3A_53 = vector.load %arg12[%get3A_51, %get3A_52] : memref<1x256xbf16, #tpu.memory_space<vmem>>, vector<1x256xbf16>
    %add3A_54 = vector.broadcast %get3A_53 : vector<1x256xbf16> to vector<4096x256xbf16>
    %add3A_55 = arith.addf %convert_element_type3A_50, %add3A_54 : vector<4096x256xbf16>
    %max3A_56 = arith.constant 0.000000e+00 : bf16
    %max3A_57 = vector.broadcast %max3A_56 : bf16 to vector<4096x256xbf16>
    %max3A_58 = arith.maximumf %add3A_55, %max3A_57 : vector<4096x256xbf16>
    %get3A_59 = arith.constant 0 : index
    %get3A_60 = arith.constant 0 : index
    %get3A_61 = vector.load %arg13[%get3A_59, %get3A_60] : memref<256x64xbf16, #tpu.memory_space<vmem>>, vector<256x64xbf16>
    %dot_general3A_62 = arith.constant dense<0.000000e+00> : vector<4096x64xf32>
    %dot_general3A_63 = tpu.matmul %max3A_58, %get3A_61, %dot_general3A_62 {dimension_numbers = #tpu.dot_dimension_numbers<[1], [0], [0], [1], [0, 0, 1, 1], [], []>, transpose_lhs_hint = false} : vector<4096x256xbf16>, vector<256x64xbf16>, vector<4096x64xf32> -> vector<4096x64xf32>
    %get3A_64 = arith.constant 0 : index
    %get3A_65 = arith.constant 0 : index
    %get3A_66 = vector.load %arg14[%get3A_64, %get3A_65] : memref<1x64xf32, #tpu.memory_space<vmem>>, vector<1x64xf32>
    %add3A_67 = vector.broadcast %get3A_66 : vector<1x64xf32> to vector<4096x64xf32>
    %add3A_68 = arith.addf %dot_general3A_63, %add3A_67 : vector<4096x64xf32>
    %reshape3A_69 = vector.shape_cast %add3A_68 : vector<4096x64xf32> to vector<256x16x64xf32>
    %slice3A = vector.extract_strided_slice %reshape3A_69 {offsets = [0, 0, 0], sizes = [256, 8, 64], strides = [1, 1, 1]} : vector<256x16x64xf32> to vector<256x8x64xf32>
    %slice3A_70 = vector.extract_strided_slice %reshape3A_69 {offsets = [0, 8, 0], sizes = [256, 8, 64], strides = [1, 1, 1]} : vector<256x16x64xf32> to vector<256x8x64xf32>
    %concatenate3A = tpu.concatenate %slice3A, %slice3A_70 in 2 : vector<256x8x64xf32>, vector<256x8x64xf32> -> vector<256x8x128xf32>
    %swap3A = arith.constant 0 : index
    %swap3A_71 = arith.constant 0 : index
    %swap3A_72 = arith.constant 0 : index
    %swap3A_73 = vector.load %arg15[%swap3A, %swap3A_71, %swap3A_72] : memref<256x64x128xf32, #tpu.memory_space<vmem>>, vector<256x8x128xf32>
    tpu.vector_store %arg15[%swap3A, %swap3A_71, %swap3A_72], %concatenate3A {strides = array<i32>} : memref<256x64x128xf32, #tpu.memory_space<vmem>>, vector<256x8x128xf32>,
    %mul3A_74 = arith.constant 8 : i32
    %mul3A_75 = arith.muli %arg1, %mul3A_74 : i32
    %add3A_76 = arith.constant 1 : i32
    %add3A_77 = arith.addi %mul3A_75, %add3A_76 : i32
    %get3A_78 = arith.constant 0 : index
    %get3A_79 = arith.index_cast %add3A_77 : i32 to index
    %get3A_80 = memref.load %arg5[%get3A_78, %get3A_79] : memref<1x32xf32, #tpu.memory_space<smem>>
    %get3A_81 = arith.constant 0 : index
    %get3A_82 = arith.constant 0 : index
    %get3A_83 = vector.load %arg3[%get3A_81, %get3A_82] : memref<16x1xf32, #tpu.memory_space<vmem>>, vector<16x1xf32>
    %get3A_84 = arith.constant 0 : index
    %get3A_85 = arith.constant 0 : index
    %get3A_86 = vector.load %arg7[%get3A_84, %get3A_85] : memref<1x256xf32, #tpu.memory_space<vmem>>, vector<1x256xf32>
    %mul3A_87 = vector.broadcast %get3A_83 : vector<16x1xf32> to vector<16x256xf32>
    %mul3A_88 = vector.broadcast %get3A_86 : vector<1x256xf32> to vector<16x256xf32>
    %mul3A_89 = arith.mulf %mul3A_87, %mul3A_88 : vector<16x256xf32>
    %get3A_90 = arith.constant 0 : index
    %get3A_91 = arith.constant 0 : index
    %get3A_92 = vector.load %arg4[%get3A_90, %get3A_91] : memref<16x1xf32, #tpu.memory_space<vmem>>, vector<16x1xf32>
    %get3A_93 = arith.constant 0 : index
    %get3A_94 = arith.constant 0 : index
    %get3A_95 = vector.load %arg8[%get3A_93, %get3A_94] : memref<1x256xf32, #tpu.memory_space<vmem>>, vector<1x256xf32>
    %mul3A_96 = vector.broadcast %get3A_92 : vector<16x1xf32> to vector<16x256xf32>
    %mul3A_97 = vector.broadcast %get3A_95 : vector<1x256xf32> to vector<16x256xf32>
    %mul3A_98 = arith.mulf %mul3A_96, %mul3A_97 : vector<16x256xf32>
    %add3A_99 = arith.addf %mul3A_89, %mul3A_98 : vector<16x256xf32>
    %get3A_100 = arith.constant 0 : index
    %get3A_101 = arith.constant 0 : index
    %get3A_102 = vector.load %arg9[%get3A_100, %get3A_101] : memref<1x256xf32, #tpu.memory_space<vmem>>, vector<1x256xf32>
    %mul3A_103 = vector.broadcast %get3A_80 : f32 to vector<1x256xf32>
    %mul3A_104 = arith.mulf %mul3A_103, %get3A_102 : vector<1x256xf32>
    %add3A_105 = vector.broadcast %mul3A_104 : vector<1x256xf32> to vector<16x256xf32>
    %add3A_106 = arith.addf %add3A_99, %add3A_105 : vector<16x256xf32>
    %get3A_107 = arith.constant 0 : index
    %get3A_108 = arith.constant 0 : index
    %get3A_109 = vector.load %arg10[%get3A_107, %get3A_108] : memref<1x256xf32, #tpu.memory_space<vmem>>, vector<1x256xf32>
    %add3A_110 = vector.broadcast %get3A_109 : vector<1x256xf32> to vector<16x256xf32>
    %add3A_111 = arith.addf %add3A_106, %add3A_110 : vector<16x256xf32>
    %convert_element_type3A_112 = arith.truncf %add3A_111 : vector<16x256xf32> to vector<16x256xbf16>
    %broadcast_in_dim3A_113 = vector.shape_cast %convert_element_type3A_112 : vector<16x256xbf16> to vector<1x16x256xbf16>
    %add3A_114 = vector.broadcast %broadcast_in_dim3A_113 : vector<1x16x256xbf16> to vector<256x16x256xbf16>
    %add3A_115 = arith.addf %get3A_4, %add3A_114 : vector<256x16x256xbf16>
    %max3A_116 = arith.constant 0.000000e+00 : bf16
    %max3A_117 = vector.broadcast %max3A_116 : bf16 to vector<256x16x256xbf16>
    %max3A_118 = arith.maximumf %add3A_115, %max3A_117 : vector<256x16x256xbf16>
    %reshape3A_119 = vector.shape_cast %max3A_118 : vector<256x16x256xbf16> to vector<4096x256xbf16>
    %get3A_120 = arith.constant 0 : index
    %get3A_121 = arith.constant 0 : index
    %get3A_122 = vector.load %arg11[%get3A_120, %get3A_121] : memref<256x256xbf16, #tpu.memory_space<vmem>>, vector<256x256xbf16>
    %dot_general3A_123 = arith.constant dense<0.000000e+00> : vector<4096x256xf32>
    %dot_general3A_124 = tpu.matmul %reshape3A_119, %get3A_122, %dot_general3A_123 {dimension_numbers = #tpu.dot_dimension_numbers<[1], [0], [0], [1], [0, 0, 1, 1], [], []>, transpose_lhs_hint = false} : vector<4096x256xbf16>, vector<256x256xbf16>, vector<4096x256xf32> -> vector<4096x256xf32>
    %convert_element_type3A_125 = arith.truncf %dot_general3A_124 : vector<4096x256xf32> to vector<4096x256xbf16>
    %get3A_126 = arith.constant 0 : index
    %get3A_127 = arith.constant 0 : index
    %get3A_128 = vector.load %arg12[%get3A_126, %get3A_127] : memref<1x256xbf16, #tpu.memory_space<vmem>>, vector<1x256xbf16>
    %add3A_129 = vector.broadcast %get3A_128 : vector<1x256xbf16> to vector<4096x256xbf16>
    %add3A_130 = arith.addf %convert_element_type3A_125, %add3A_129 : vector<4096x256xbf16>
    %max3A_131 = arith.constant 0.000000e+00 : bf16
    %max3A_132 = vector.broadcast %max3A_131 : bf16 to vector<4096x256xbf16>
    %max3A_133 = arith.maximumf %add3A_130, %max3A_132 : vector<4096x256xbf16>
    %get3A_134 = arith.constant 0 : index
    %get3A_135 = arith.constant 0 : index
    %get3A_136 = vector.load %arg13[%get3A_134, %get3A_135] : memref<256x64xbf16, #tpu.memory_space<vmem>>, vector<256x64xbf16>
    %dot_general3A_137 = arith.constant dense<0.000000e+00> : vector<4096x64xf32>
    %dot_general3A_138 = tpu.matmul %max3A_133, %get3A_136, %dot_general3A_137 {dimension_numbers = #tpu.dot_dimension_numbers<[1], [0], [0], [1], [0, 0, 1, 1], [], []>, transpose_lhs_hint = false} : vector<4096x256xbf16>, vector<256x64xbf16>, vector<4096x64xf32> -> vector<4096x64xf32>
    %get3A_139 = arith.constant 0 : index
    %get3A_140 = arith.constant 0 : index
    %get3A_141 = vector.load %arg14[%get3A_139, %get3A_140] : memref<1x64xf32, #tpu.memory_space<vmem>>, vector<1x64xf32>
    %add3A_142 = vector.broadcast %get3A_141 : vector<1x64xf32> to vector<4096x64xf32>
    %add3A_143 = arith.addf %dot_general3A_138, %add3A_142 : vector<4096x64xf32>
    %reshape3A_144 = vector.shape_cast %add3A_143 : vector<4096x64xf32> to vector<256x16x64xf32>
    %slice3A_145 = vector.extract_strided_slice %reshape3A_144 {offsets = [0, 0, 0], sizes = [256, 8, 64], strides = [1, 1, 1]} : vector<256x16x64xf32> to vector<256x8x64xf32>
    %slice3A_146 = vector.extract_strided_slice %reshape3A_144 {offsets = [0, 8, 0], sizes = [256, 8, 64], strides = [1, 1, 1]} : vector<256x16x64xf32> to vector<256x8x64xf32>
    %concatenate3A_147 = tpu.concatenate %slice3A_145, %slice3A_146 in 2 : vector<256x8x64xf32>, vector<256x8x64xf32> -> vector<256x8x128xf32>
    %swap3A_148 = arith.constant 0 : index
    %swap3A_149 = arith.constant 8 : index
    %swap3A_150 = arith.constant 0 : index
    %swap3A_151 = vector.load %arg15[%swap3A_148, %swap3A_149, %swap3A_150] : memref<256x64x128xf32, #tpu.memory_space<vmem>>, vector<256x8x128xf32>
    tpu.vector_store %arg15[%swap3A_148, %swap3A_149, %swap3A_150], %concatenate3A_147 {strides = array<i32>} : memref<256x64x128xf32, #tpu.memory_space<vmem>>, vector<256x8x128xf32>,
    %mul3A_152 = arith.constant 8 : i32
    %mul3A_153 = arith.muli %arg1, %mul3A_152 : i32
    %add3A_154 = arith.constant 2 : i32
    %add3A_155 = arith.addi %mul3A_153, %add3A_154 : i32
    %get3A_156 = arith.constant 0 : index
    %get3A_157 = arith.index_cast %add3A_155 : i32 to index
    %get3A_158 = memref.load %arg5[%get3A_156, %get3A_157] : memref<1x32xf32, #tpu.memory_space<smem>>
    %get3A_159 = arith.constant 0 : index
    %get3A_160 = arith.constant 0 : index
    %get3A_161 = vector.load %arg3[%get3A_159, %get3A_160] : memref<16x1xf32, #tpu.memory_space<vmem>>, vector<16x1xf32>
    %get3A_162 = arith.constant 0 : index
    %get3A_163 = arith.constant 0 : index
    %get3A_164 = vector.load %arg7[%get3A_162, %get3A_163] : memref<1x256xf32, #tpu.memory_space<vmem>>, vector<1x256xf32>
    %mul3A_165 = vector.broadcast %get3A_161 : vector<16x1xf32> to vector<16x256xf32>
    %mul3A_166 = vector.broadcast %get3A_164 : vector<1x256xf32> to vector<16x256xf32>
    %mul3A_167 = arith.mulf %mul3A_165, %mul3A_166 : vector<16x256xf32>
    %get3A_168 = arith.constant 0 : index
    %get3A_169 = arith.constant 0 : index
    %get3A_170 = vector.load %arg4[%get3A_168, %get3A_169] : memref<16x1xf32, #tpu.memory_space<vmem>>, vector<16x1xf32>
    %get3A_171 = arith.constant 0 : index
    %get3A_172 = arith.constant 0 : index
    %get3A_173 = vector.load %arg8[%get3A_171, %get3A_172] : memref<1x256xf32, #tpu.memory_space<vmem>>, vector<1x256xf32>
    %mul3A_174 = vector.broadcast %get3A_170 : vector<16x1xf32> to vector<16x256xf32>
    %mul3A_175 = vector.broadcast %get3A_173 : vector<1x256xf32> to vector<16x256xf32>
    %mul3A_176 = arith.mulf %mul3A_174, %mul3A_175 : vector<16x256xf32>
    %add3A_177 = arith.addf %mul3A_167, %mul3A_176 : vector<16x256xf32>
    %get3A_178 = arith.constant 0 : index
    %get3A_179 = arith.constant 0 : index
    %get3A_180 = vector.load %arg9[%get3A_178, %get3A_179] : memref<1x256xf32, #tpu.memory_space<vmem>>, vector<1x256xf32>
    %mul3A_181 = vector.broadcast %get3A_158 : f32 to vector<1x256xf32>
    %mul3A_182 = arith.mulf %mul3A_181, %get3A_180 : vector<1x256xf32>
    %add3A_183 = vector.broadcast %mul3A_182 : vector<1x256xf32> to vector<16x256xf32>
    %add3A_184 = arith.addf %add3A_177, %add3A_183 : vector<16x256xf32>
    %get3A_185 = arith.constant 0 : index
    %get3A_186 = arith.constant 0 : index
    %get3A_187 = vector.load %arg10[%get3A_185, %get3A_186] : memref<1x256xf32, #tpu.memory_space<vmem>>, vector<1x256xf32>
    %add3A_188 = vector.broadcast %get3A_187 : vector<1x256xf32> to vector<16x256xf32>
    %add3A_189 = arith.addf %add3A_184, %add3A_188 : vector<16x256xf32>
    %convert_element_type3A_190 = arith.truncf %add3A_189 : vector<16x256xf32> to vector<16x256xbf16>
    %broadcast_in_dim3A_191 = vector.shape_cast %convert_element_type3A_190 : vector<16x256xbf16> to vector<1x16x256xbf16>
    %add3A_192 = vector.broadcast %broadcast_in_dim3A_191 : vector<1x16x256xbf16> to vector<256x16x256xbf16>
    %add3A_193 = arith.addf %get3A_4, %add3A_192 : vector<256x16x256xbf16>
    %max3A_194 = arith.constant 0.000000e+00 : bf16
    %max3A_195 = vector.broadcast %max3A_194 : bf16 to vector<256x16x256xbf16>
    %max3A_196 = arith.maximumf %add3A_193, %max3A_195 : vector<256x16x256xbf16>
    %reshape3A_197 = vector.shape_cast %max3A_196 : vector<256x16x256xbf16> to vector<4096x256xbf16>
    %get3A_198 = arith.constant 0 : index
    %get3A_199 = arith.constant 0 : index
    %get3A_200 = vector.load %arg11[%get3A_198, %get3A_199] : memref<256x256xbf16, #tpu.memory_space<vmem>>, vector<256x256xbf16>
    %dot_general3A_201 = arith.constant dense<0.000000e+00> : vector<4096x256xf32>
    %dot_general3A_202 = tpu.matmul %reshape3A_197, %get3A_200, %dot_general3A_201 {dimension_numbers = #tpu.dot_dimension_numbers<[1], [0], [0], [1], [0, 0, 1, 1], [], []>, transpose_lhs_hint = false} : vector<4096x256xbf16>, vector<256x256xbf16>, vector<4096x256xf32> -> vector<4096x256xf32>
    %convert_element_type3A_203 = arith.truncf %dot_general3A_202 : vector<4096x256xf32> to vector<4096x256xbf16>
    %get3A_204 = arith.constant 0 : index
    %get3A_205 = arith.constant 0 : index
    %get3A_206 = vector.load %arg12[%get3A_204, %get3A_205] : memref<1x256xbf16, #tpu.memory_space<vmem>>, vector<1x256xbf16>
    %add3A_207 = vector.broadcast %get3A_206 : vector<1x256xbf16> to vector<4096x256xbf16>
    %add3A_208 = arith.addf %convert_element_type3A_203, %add3A_207 : vector<4096x256xbf16>
    %max3A_209 = arith.constant 0.000000e+00 : bf16
    %max3A_210 = vector.broadcast %max3A_209 : bf16 to vector<4096x256xbf16>
    %max3A_211 = arith.maximumf %add3A_208, %max3A_210 : vector<4096x256xbf16>
    %get3A_212 = arith.constant 0 : index
    %get3A_213 = arith.constant 0 : index
    %get3A_214 = vector.load %arg13[%get3A_212, %get3A_213] : memref<256x64xbf16, #tpu.memory_space<vmem>>, vector<256x64xbf16>
    %dot_general3A_215 = arith.constant dense<0.000000e+00> : vector<4096x64xf32>
    %dot_general3A_216 = tpu.matmul %max3A_211, %get3A_214, %dot_general3A_215 {dimension_numbers = #tpu.dot_dimension_numbers<[1], [0], [0], [1], [0, 0, 1, 1], [], []>, transpose_lhs_hint = false} : vector<4096x256xbf16>, vector<256x64xbf16>, vector<4096x64xf32> -> vector<4096x64xf32>
    %get3A_217 = arith.constant 0 : index
    %get3A_218 = arith.constant 0 : index
    %get3A_219 = vector.load %arg14[%get3A_217, %get3A_218] : memref<1x64xf32, #tpu.memory_space<vmem>>, vector<1x64xf32>
    %add3A_220 = vector.broadcast %get3A_219 : vector<1x64xf32> to vector<4096x64xf32>
    %add3A_221 = arith.addf %dot_general3A_216, %add3A_220 : vector<4096x64xf32>
    %reshape3A_222 = vector.shape_cast %add3A_221 : vector<4096x64xf32> to vector<256x16x64xf32>
    %slice3A_223 = vector.extract_strided_slice %reshape3A_222 {offsets = [0, 0, 0], sizes = [256, 8, 64], strides = [1, 1, 1]} : vector<256x16x64xf32> to vector<256x8x64xf32>
    %slice3A_224 = vector.extract_strided_slice %reshape3A_222 {offsets = [0, 8, 0], sizes = [256, 8, 64], strides = [1, 1, 1]} : vector<256x16x64xf32> to vector<256x8x64xf32>
    %concatenate3A_225 = tpu.concatenate %slice3A_223, %slice3A_224 in 2 : vector<256x8x64xf32>, vector<256x8x64xf32> -> vector<256x8x128xf32>
    %swap3A_226 = arith.constant 0 : index
    %swap3A_227 = arith.constant 16 : index
    %swap3A_228 = arith.constant 0 : index
    %swap3A_229 = vector.load %arg15[%swap3A_226, %swap3A_227, %swap3A_228] : memref<256x64x128xf32, #tpu.memory_space<vmem>>, vector<256x8x128xf32>
    tpu.vector_store %arg15[%swap3A_226, %swap3A_227, %swap3A_228], %concatenate3A_225 {strides = array<i32>} : memref<256x64x128xf32, #tpu.memory_space<vmem>>, vector<256x8x128xf32>,
    %mul3A_230 = arith.constant 8 : i32
    %mul3A_231 = arith.muli %arg1, %mul3A_230 : i32
    %add3A_232 = arith.constant 3 : i32
    %add3A_233 = arith.addi %mul3A_231, %add3A_232 : i32
    %get3A_234 = arith.constant 0 : index
    %get3A_235 = arith.index_cast %add3A_233 : i32 to index
    %get3A_236 = memref.load %arg5[%get3A_234, %get3A_235] : memref<1x32xf32, #tpu.memory_space<smem>>
    %get3A_237 = arith.constant 0 : index
    %get3A_238 = arith.constant 0 : index
    %get3A_239 = vector.load %arg3[%get3A_237, %get3A_238] : memref<16x1xf32, #tpu.memory_space<vmem>>, vector<16x1xf32>
    %get3A_240 = arith.constant 0 : index
    %get3A_241 = arith.constant 0 : index
    %get3A_242 = vector.load %arg7[%get3A_240, %get3A_241] : memref<1x256xf32, #tpu.memory_space<vmem>>, vector<1x256xf32>
    %mul3A_243 = vector.broadcast %get3A_239 : vector<16x1xf32> to vector<16x256xf32>
    %mul3A_244 = vector.broadcast %get3A_242 : vector<1x256xf32> to vector<16x256xf32>
    %mul3A_245 = arith.mulf %mul3A_243, %mul3A_244 : vector<16x256xf32>
    %get3A_246 = arith.constant 0 : index
    %get3A_247 = arith.constant 0 : index
    %get3A_248 = vector.load %arg4[%get3A_246, %get3A_247] : memref<16x1xf32, #tpu.memory_space<vmem>>, vector<16x1xf32>
    %get3A_249 = arith.constant 0 : index
    %get3A_250 = arith.constant 0 : index
    %get3A_251 = vector.load %arg8[%get3A_249, %get3A_250] : memref<1x256xf32, #tpu.memory_space<vmem>>, vector<1x256xf32>
    %mul3A_252 = vector.broadcast %get3A_248 : vector<16x1xf32> to vector<16x256xf32>
    %mul3A_253 = vector.broadcast %get3A_251 : vector<1x256xf32> to vector<16x256xf32>
    %mul3A_254 = arith.mulf %mul3A_252, %mul3A_253 : vector<16x256xf32>
    %add3A_255 = arith.addf %mul3A_245, %mul3A_254 : vector<16x256xf32>
    %get3A_256 = arith.constant 0 : index
    %get3A_257 = arith.constant 0 : index
    %get3A_258 = vector.load %arg9[%get3A_256, %get3A_257] : memref<1x256xf32, #tpu.memory_space<vmem>>, vector<1x256xf32>
    %mul3A_259 = vector.broadcast %get3A_236 : f32 to vector<1x256xf32>
    %mul3A_260 = arith.mulf %mul3A_259, %get3A_258 : vector<1x256xf32>
    %add3A_261 = vector.broadcast %mul3A_260 : vector<1x256xf32> to vector<16x256xf32>
    %add3A_262 = arith.addf %add3A_255, %add3A_261 : vector<16x256xf32>
    %get3A_263 = arith.constant 0 : index
    %get3A_264 = arith.constant 0 : index
    %get3A_265 = vector.load %arg10[%get3A_263, %get3A_264] : memref<1x256xf32, #tpu.memory_space<vmem>>, vector<1x256xf32>
    %add3A_266 = vector.broadcast %get3A_265 : vector<1x256xf32> to vector<16x256xf32>
    %add3A_267 = arith.addf %add3A_262, %add3A_266 : vector<16x256xf32>
    %convert_element_type3A_268 = arith.truncf %add3A_267 : vector<16x256xf32> to vector<16x256xbf16>
    %broadcast_in_dim3A_269 = vector.shape_cast %convert_element_type3A_268 : vector<16x256xbf16> to vector<1x16x256xbf16>
    %add3A_270 = vector.broadcast %broadcast_in_dim3A_269 : vector<1x16x256xbf16> to vector<256x16x256xbf16>
    %add3A_271 = arith.addf %get3A_4, %add3A_270 : vector<256x16x256xbf16>
    %max3A_272 = arith.constant 0.000000e+00 : bf16
    %max3A_273 = vector.broadcast %max3A_272 : bf16 to vector<256x16x256xbf16>
    %max3A_274 = arith.maximumf %add3A_271, %max3A_273 : vector<256x16x256xbf16>
    %reshape3A_275 = vector.shape_cast %max3A_274 : vector<256x16x256xbf16> to vector<4096x256xbf16>
    %get3A_276 = arith.constant 0 : index
    %get3A_277 = arith.constant 0 : index
    %get3A_278 = vector.load %arg11[%get3A_276, %get3A_277] : memref<256x256xbf16, #tpu.memory_space<vmem>>, vector<256x256xbf16>
    %dot_general3A_279 = arith.constant dense<0.000000e+00> : vector<4096x256xf32>
    %dot_general3A_280 = tpu.matmul %reshape3A_275, %get3A_278, %dot_general3A_279 {dimension_numbers = #tpu.dot_dimension_numbers<[1], [0], [0], [1], [0, 0, 1, 1], [], []>, transpose_lhs_hint = false} : vector<4096x256xbf16>, vector<256x256xbf16>, vector<4096x256xf32> -> vector<4096x256xf32>
    %convert_element_type3A_281 = arith.truncf %dot_general3A_280 : vector<4096x256xf32> to vector<4096x256xbf16>
    %get3A_282 = arith.constant 0 : index
    %get3A_283 = arith.constant 0 : index
    %get3A_284 = vector.load %arg12[%get3A_282, %get3A_283] : memref<1x256xbf16, #tpu.memory_space<vmem>>, vector<1x256xbf16>
    %add3A_285 = vector.broadcast %get3A_284 : vector<1x256xbf16> to vector<4096x256xbf16>
    %add3A_286 = arith.addf %convert_element_type3A_281, %add3A_285 : vector<4096x256xbf16>
    %max3A_287 = arith.constant 0.000000e+00 : bf16
    %max3A_288 = vector.broadcast %max3A_287 : bf16 to vector<4096x256xbf16>
    %max3A_289 = arith.maximumf %add3A_286, %max3A_288 : vector<4096x256xbf16>
    %get3A_290 = arith.constant 0 : index
    %get3A_291 = arith.constant 0 : index
    %get3A_292 = vector.load %arg13[%get3A_290, %get3A_291] : memref<256x64xbf16, #tpu.memory_space<vmem>>, vector<256x64xbf16>
    %dot_general3A_293 = arith.constant dense<0.000000e+00> : vector<4096x64xf32>
    %dot_general3A_294 = tpu.matmul %max3A_289, %get3A_292, %dot_general3A_293 {dimension_numbers = #tpu.dot_dimension_numbers<[1], [0], [0], [1], [0, 0, 1, 1], [], []>, transpose_lhs_hint = false} : vector<4096x256xbf16>, vector<256x64xbf16>, vector<4096x64xf32> -> vector<4096x64xf32>
    %get3A_295 = arith.constant 0 : index
    %get3A_296 = arith.constant 0 : index
    %get3A_297 = vector.load %arg14[%get3A_295, %get3A_296] : memref<1x64xf32, #tpu.memory_space<vmem>>, vector<1x64xf32>
    %add3A_298 = vector.broadcast %get3A_297 : vector<1x64xf32> to vector<4096x64xf32>
    %add3A_299 = arith.addf %dot_general3A_294, %add3A_298 : vector<4096x64xf32>
    %reshape3A_300 = vector.shape_cast %add3A_299 : vector<4096x64xf32> to vector<256x16x64xf32>
    %slice3A_301 = vector.extract_strided_slice %reshape3A_300 {offsets = [0, 0, 0], sizes = [256, 8, 64], strides = [1, 1, 1]} : vector<256x16x64xf32> to vector<256x8x64xf32>
    %slice3A_302 = vector.extract_strided_slice %reshape3A_300 {offsets = [0, 8, 0], sizes = [256, 8, 64], strides = [1, 1, 1]} : vector<256x16x64xf32> to vector<256x8x64xf32>
    %concatenate3A_303 = tpu.concatenate %slice3A_301, %slice3A_302 in 2 : vector<256x8x64xf32>, vector<256x8x64xf32> -> vector<256x8x128xf32>
    %swap3A_304 = arith.constant 0 : index
    %swap3A_305 = arith.constant 24 : index
    %swap3A_306 = arith.constant 0 : index
    %swap3A_307 = vector.load %arg15[%swap3A_304, %swap3A_305, %swap3A_306] : memref<256x64x128xf32, #tpu.memory_space<vmem>>, vector<256x8x128xf32>
    tpu.vector_store %arg15[%swap3A_304, %swap3A_305, %swap3A_306], %concatenate3A_303 {strides = array<i32>} : memref<256x64x128xf32, #tpu.memory_space<vmem>>, vector<256x8x128xf32>,
    %mul3A_308 = arith.constant 8 : i32
    %mul3A_309 = arith.muli %arg1, %mul3A_308 : i32
    %add3A_310 = arith.constant 4 : i32
    %add3A_311 = arith.addi %mul3A_309, %add3A_310 : i32
    %get3A_312 = arith.constant 0 : index
    %get3A_313 = arith.index_cast %add3A_311 : i32 to index
    %get3A_314 = memref.load %arg5[%get3A_312, %get3A_313] : memref<1x32xf32, #tpu.memory_space<smem>>
    %get3A_315 = arith.constant 0 : index
    %get3A_316 = arith.constant 0 : index
    %get3A_317 = vector.load %arg3[%get3A_315, %get3A_316] : memref<16x1xf32, #tpu.memory_space<vmem>>, vector<16x1xf32>
    %get3A_318 = arith.constant 0 : index
    %get3A_319 = arith.constant 0 : index
    %get3A_320 = vector.load %arg7[%get3A_318, %get3A_319] : memref<1x256xf32, #tpu.memory_space<vmem>>, vector<1x256xf32>
    %mul3A_321 = vector.broadcast %get3A_317 : vector<16x1xf32> to vector<16x256xf32>
    %mul3A_322 = vector.broadcast %get3A_320 : vector<1x256xf32> to vector<16x256xf32>
    %mul3A_323 = arith.mulf %mul3A_321, %mul3A_322 : vector<16x256xf32>
    %get3A_324 = arith.constant 0 : index
    %get3A_325 = arith.constant 0 : index
    %get3A_326 = vector.load %arg4[%get3A_324, %get3A_325] : memref<16x1xf32, #tpu.memory_space<vmem>>, vector<16x1xf32>
    %get3A_327 = arith.constant 0 : index
    %get3A_328 = arith.constant 0 : index
    %get3A_329 = vector.load %arg8[%get3A_327, %get3A_328] : memref<1x256xf32, #tpu.memory_space<vmem>>, vector<1x256xf32>
    %mul3A_330 = vector.broadcast %get3A_326 : vector<16x1xf32> to vector<16x256xf32>
    %mul3A_331 = vector.broadcast %get3A_329 : vector<1x256xf32> to vector<16x256xf32>
    %mul3A_332 = arith.mulf %mul3A_330, %mul3A_331 : vector<16x256xf32>
    %add3A_333 = arith.addf %mul3A_323, %mul3A_332 : vector<16x256xf32>
    %get3A_334 = arith.constant 0 : index
    %get3A_335 = arith.constant 0 : index
    %get3A_336 = vector.load %arg9[%get3A_334, %get3A_335] : memref<1x256xf32, #tpu.memory_space<vmem>>, vector<1x256xf32>
    %mul3A_337 = vector.broadcast %get3A_314 : f32 to vector<1x256xf32>
    %mul3A_338 = arith.mulf %mul3A_337, %get3A_336 : vector<1x256xf32>
    %add3A_339 = vector.broadcast %mul3A_338 : vector<1x256xf32> to vector<16x256xf32>
    %add3A_340 = arith.addf %add3A_333, %add3A_339 : vector<16x256xf32>
    %get3A_341 = arith.constant 0 : index
    %get3A_342 = arith.constant 0 : index
    %get3A_343 = vector.load %arg10[%get3A_341, %get3A_342] : memref<1x256xf32, #tpu.memory_space<vmem>>, vector<1x256xf32>
    %add3A_344 = vector.broadcast %get3A_343 : vector<1x256xf32> to vector<16x256xf32>
    %add3A_345 = arith.addf %add3A_340, %add3A_344 : vector<16x256xf32>
    %convert_element_type3A_346 = arith.truncf %add3A_345 : vector<16x256xf32> to vector<16x256xbf16>
    %broadcast_in_dim3A_347 = vector.shape_cast %convert_element_type3A_346 : vector<16x256xbf16> to vector<1x16x256xbf16>
    %add3A_348 = vector.broadcast %broadcast_in_dim3A_347 : vector<1x16x256xbf16> to vector<256x16x256xbf16>
    %add3A_349 = arith.addf %get3A_4, %add3A_348 : vector<256x16x256xbf16>
    %max3A_350 = arith.constant 0.000000e+00 : bf16
    %max3A_351 = vector.broadcast %max3A_350 : bf16 to vector<256x16x256xbf16>
    %max3A_352 = arith.maximumf %add3A_349, %max3A_351 : vector<256x16x256xbf16>
    %reshape3A_353 = vector.shape_cast %max3A_352 : vector<256x16x256xbf16> to vector<4096x256xbf16>
    %get3A_354 = arith.constant 0 : index
    %get3A_355 = arith.constant 0 : index
    %get3A_356 = vector.load %arg11[%get3A_354, %get3A_355] : memref<256x256xbf16, #tpu.memory_space<vmem>>, vector<256x256xbf16>
    %dot_general3A_357 = arith.constant dense<0.000000e+00> : vector<4096x256xf32>
    %dot_general3A_358 = tpu.matmul %reshape3A_353, %get3A_356, %dot_general3A_357 {dimension_numbers = #tpu.dot_dimension_numbers<[1], [0], [0], [1], [0, 0, 1, 1], [], []>, transpose_lhs_hint = false} : vector<4096x256xbf16>, vector<256x256xbf16>, vector<4096x256xf32> -> vector<4096x256xf32>
    %convert_element_type3A_359 = arith.truncf %dot_general3A_358 : vector<4096x256xf32> to vector<4096x256xbf16>
    %get3A_360 = arith.constant 0 : index
    %get3A_361 = arith.constant 0 : index
    %get3A_362 = vector.load %arg12[%get3A_360, %get3A_361] : memref<1x256xbf16, #tpu.memory_space<vmem>>, vector<1x256xbf16>
    %add3A_363 = vector.broadcast %get3A_362 : vector<1x256xbf16> to vector<4096x256xbf16>
    %add3A_364 = arith.addf %convert_element_type3A_359, %add3A_363 : vector<4096x256xbf16>
    %max3A_365 = arith.constant 0.000000e+00 : bf16
    %max3A_366 = vector.broadcast %max3A_365 : bf16 to vector<4096x256xbf16>
    %max3A_367 = arith.maximumf %add3A_364, %max3A_366 : vector<4096x256xbf16>
    %get3A_368 = arith.constant 0 : index
    %get3A_369 = arith.constant 0 : index
    %get3A_370 = vector.load %arg13[%get3A_368, %get3A_369] : memref<256x64xbf16, #tpu.memory_space<vmem>>, vector<256x64xbf16>
    %dot_general3A_371 = arith.constant dense<0.000000e+00> : vector<4096x64xf32>
    %dot_general3A_372 = tpu.matmul %max3A_367, %get3A_370, %dot_general3A_371 {dimension_numbers = #tpu.dot_dimension_numbers<[1], [0], [0], [1], [0, 0, 1, 1], [], []>, transpose_lhs_hint = false} : vector<4096x256xbf16>, vector<256x64xbf16>, vector<4096x64xf32> -> vector<4096x64xf32>
    %get3A_373 = arith.constant 0 : index
    %get3A_374 = arith.constant 0 : index
    %get3A_375 = vector.load %arg14[%get3A_373, %get3A_374] : memref<1x64xf32, #tpu.memory_space<vmem>>, vector<1x64xf32>
    %add3A_376 = vector.broadcast %get3A_375 : vector<1x64xf32> to vector<4096x64xf32>
    %add3A_377 = arith.addf %dot_general3A_372, %add3A_376 : vector<4096x64xf32>
    %reshape3A_378 = vector.shape_cast %add3A_377 : vector<4096x64xf32> to vector<256x16x64xf32>
    %slice3A_379 = vector.extract_strided_slice %reshape3A_378 {offsets = [0, 0, 0], sizes = [256, 8, 64], strides = [1, 1, 1]} : vector<256x16x64xf32> to vector<256x8x64xf32>
    %slice3A_380 = vector.extract_strided_slice %reshape3A_378 {offsets = [0, 8, 0], sizes = [256, 8, 64], strides = [1, 1, 1]} : vector<256x16x64xf32> to vector<256x8x64xf32>
    %concatenate3A_381 = tpu.concatenate %slice3A_379, %slice3A_380 in 2 : vector<256x8x64xf32>, vector<256x8x64xf32> -> vector<256x8x128xf32>
    %swap3A_382 = arith.constant 0 : index
    %swap3A_383 = arith.constant 32 : index
    %swap3A_384 = arith.constant 0 : index
    %swap3A_385 = vector.load %arg15[%swap3A_382, %swap3A_383, %swap3A_384] : memref<256x64x128xf32, #tpu.memory_space<vmem>>, vector<256x8x128xf32>
    tpu.vector_store %arg15[%swap3A_382, %swap3A_383, %swap3A_384], %concatenate3A_381 {strides = array<i32>} : memref<256x64x128xf32, #tpu.memory_space<vmem>>, vector<256x8x128xf32>,
    %mul3A_386 = arith.constant 8 : i32
    %mul3A_387 = arith.muli %arg1, %mul3A_386 : i32
    %add3A_388 = arith.constant 5 : i32
    %add3A_389 = arith.addi %mul3A_387, %add3A_388 : i32
    %get3A_390 = arith.constant 0 : index
    %get3A_391 = arith.index_cast %add3A_389 : i32 to index
    %get3A_392 = memref.load %arg5[%get3A_390, %get3A_391] : memref<1x32xf32, #tpu.memory_space<smem>>
    %get3A_393 = arith.constant 0 : index
    %get3A_394 = arith.constant 0 : index
    %get3A_395 = vector.load %arg3[%get3A_393, %get3A_394] : memref<16x1xf32, #tpu.memory_space<vmem>>, vector<16x1xf32>
    %get3A_396 = arith.constant 0 : index
    %get3A_397 = arith.constant 0 : index
    %get3A_398 = vector.load %arg7[%get3A_396, %get3A_397] : memref<1x256xf32, #tpu.memory_space<vmem>>, vector<1x256xf32>
    %mul3A_399 = vector.broadcast %get3A_395 : vector<16x1xf32> to vector<16x256xf32>
    %mul3A_400 = vector.broadcast %get3A_398 : vector<1x256xf32> to vector<16x256xf32>
    %mul3A_401 = arith.mulf %mul3A_399, %mul3A_400 : vector<16x256xf32>
    %get3A_402 = arith.constant 0 : index
    %get3A_403 = arith.constant 0 : index
    %get3A_404 = vector.load %arg4[%get3A_402, %get3A_403] : memref<16x1xf32, #tpu.memory_space<vmem>>, vector<16x1xf32>
    %get3A_405 = arith.constant 0 : index
    %get3A_406 = arith.constant 0 : index
    %get3A_407 = vector.load %arg8[%get3A_405, %get3A_406] : memref<1x256xf32, #tpu.memory_space<vmem>>, vector<1x256xf32>
    %mul3A_408 = vector.broadcast %get3A_404 : vector<16x1xf32> to vector<16x256xf32>
    %mul3A_409 = vector.broadcast %get3A_407 : vector<1x256xf32> to vector<16x256xf32>
    %mul3A_410 = arith.mulf %mul3A_408, %mul3A_409 : vector<16x256xf32>
    %add3A_411 = arith.addf %mul3A_401, %mul3A_410 : vector<16x256xf32>
    %get3A_412 = arith.constant 0 : index
    %get3A_413 = arith.constant 0 : index
    %get3A_414 = vector.load %arg9[%get3A_412, %get3A_413] : memref<1x256xf32, #tpu.memory_space<vmem>>, vector<1x256xf32>
    %mul3A_415 = vector.broadcast %get3A_392 : f32 to vector<1x256xf32>
    %mul3A_416 = arith.mulf %mul3A_415, %get3A_414 : vector<1x256xf32>
    %add3A_417 = vector.broadcast %mul3A_416 : vector<1x256xf32> to vector<16x256xf32>
    %add3A_418 = arith.addf %add3A_411, %add3A_417 : vector<16x256xf32>
    %get3A_419 = arith.constant 0 : index
    %get3A_420 = arith.constant 0 : index
    %get3A_421 = vector.load %arg10[%get3A_419, %get3A_420] : memref<1x256xf32, #tpu.memory_space<vmem>>, vector<1x256xf32>
    %add3A_422 = vector.broadcast %get3A_421 : vector<1x256xf32> to vector<16x256xf32>
    %add3A_423 = arith.addf %add3A_418, %add3A_422 : vector<16x256xf32>
    %convert_element_type3A_424 = arith.truncf %add3A_423 : vector<16x256xf32> to vector<16x256xbf16>
    %broadcast_in_dim3A_425 = vector.shape_cast %convert_element_type3A_424 : vector<16x256xbf16> to vector<1x16x256xbf16>
    %add3A_426 = vector.broadcast %broadcast_in_dim3A_425 : vector<1x16x256xbf16> to vector<256x16x256xbf16>
    %add3A_427 = arith.addf %get3A_4, %add3A_426 : vector<256x16x256xbf16>
    %max3A_428 = arith.constant 0.000000e+00 : bf16
    %max3A_429 = vector.broadcast %max3A_428 : bf16 to vector<256x16x256xbf16>
    %max3A_430 = arith.maximumf %add3A_427, %max3A_429 : vector<256x16x256xbf16>
    %reshape3A_431 = vector.shape_cast %max3A_430 : vector<256x16x256xbf16> to vector<4096x256xbf16>
    %get3A_432 = arith.constant 0 : index
    %get3A_433 = arith.constant 0 : index
    %get3A_434 = vector.load %arg11[%get3A_432, %get3A_433] : memref<256x256xbf16, #tpu.memory_space<vmem>>, vector<256x256xbf16>
    %dot_general3A_435 = arith.constant dense<0.000000e+00> : vector<4096x256xf32>
    %dot_general3A_436 = tpu.matmul %reshape3A_431, %get3A_434, %dot_general3A_435 {dimension_numbers = #tpu.dot_dimension_numbers<[1], [0], [0], [1], [0, 0, 1, 1], [], []>, transpose_lhs_hint = false} : vector<4096x256xbf16>, vector<256x256xbf16>, vector<4096x256xf32> -> vector<4096x256xf32>
    %convert_element_type3A_437 = arith.truncf %dot_general3A_436 : vector<4096x256xf32> to vector<4096x256xbf16>
    %get3A_438 = arith.constant 0 : index
    %get3A_439 = arith.constant 0 : index
    %get3A_440 = vector.load %arg12[%get3A_438, %get3A_439] : memref<1x256xbf16, #tpu.memory_space<vmem>>, vector<1x256xbf16>
    %add3A_441 = vector.broadcast %get3A_440 : vector<1x256xbf16> to vector<4096x256xbf16>
    %add3A_442 = arith.addf %convert_element_type3A_437, %add3A_441 : vector<4096x256xbf16>
    %max3A_443 = arith.constant 0.000000e+00 : bf16
    %max3A_444 = vector.broadcast %max3A_443 : bf16 to vector<4096x256xbf16>
    %max3A_445 = arith.maximumf %add3A_442, %max3A_444 : vector<4096x256xbf16>
    %get3A_446 = arith.constant 0 : index
    %get3A_447 = arith.constant 0 : index
    %get3A_448 = vector.load %arg13[%get3A_446, %get3A_447] : memref<256x64xbf16, #tpu.memory_space<vmem>>, vector<256x64xbf16>
    %dot_general3A_449 = arith.constant dense<0.000000e+00> : vector<4096x64xf32>
    %dot_general3A_450 = tpu.matmul %max3A_445, %get3A_448, %dot_general3A_449 {dimension_numbers = #tpu.dot_dimension_numbers<[1], [0], [0], [1], [0, 0, 1, 1], [], []>, transpose_lhs_hint = false} : vector<4096x256xbf16>, vector<256x64xbf16>, vector<4096x64xf32> -> vector<4096x64xf32>
    %get3A_451 = arith.constant 0 : index
    %get3A_452 = arith.constant 0 : index
    %get3A_453 = vector.load %arg14[%get3A_451, %get3A_452] : memref<1x64xf32, #tpu.memory_space<vmem>>, vector<1x64xf32>
    %add3A_454 = vector.broadcast %get3A_453 : vector<1x64xf32> to vector<4096x64xf32>
    %add3A_455 = arith.addf %dot_general3A_450, %add3A_454 : vector<4096x64xf32>
    %reshape3A_456 = vector.shape_cast %add3A_455 : vector<4096x64xf32> to vector<256x16x64xf32>
    %slice3A_457 = vector.extract_strided_slice %reshape3A_456 {offsets = [0, 0, 0], sizes = [256, 8, 64], strides = [1, 1, 1]} : vector<256x16x64xf32> to vector<256x8x64xf32>
    %slice3A_458 = vector.extract_strided_slice %reshape3A_456 {offsets = [0, 8, 0], sizes = [256, 8, 64], strides = [1, 1, 1]} : vector<256x16x64xf32> to vector<256x8x64xf32>
    %concatenate3A_459 = tpu.concatenate %slice3A_457, %slice3A_458 in 2 : vector<256x8x64xf32>, vector<256x8x64xf32> -> vector<256x8x128xf32>
    %swap3A_460 = arith.constant 0 : index
    %swap3A_461 = arith.constant 40 : index
    %swap3A_462 = arith.constant 0 : index
    %swap3A_463 = vector.load %arg15[%swap3A_460, %swap3A_461, %swap3A_462] : memref<256x64x128xf32, #tpu.memory_space<vmem>>, vector<256x8x128xf32>
    tpu.vector_store %arg15[%swap3A_460, %swap3A_461, %swap3A_462], %concatenate3A_459 {strides = array<i32>} : memref<256x64x128xf32, #tpu.memory_space<vmem>>, vector<256x8x128xf32>,
    %mul3A_464 = arith.constant 8 : i32
    %mul3A_465 = arith.muli %arg1, %mul3A_464 : i32
    %add3A_466 = arith.constant 6 : i32
    %add3A_467 = arith.addi %mul3A_465, %add3A_466 : i32
    %get3A_468 = arith.constant 0 : index
    %get3A_469 = arith.index_cast %add3A_467 : i32 to index
    %get3A_470 = memref.load %arg5[%get3A_468, %get3A_469] : memref<1x32xf32, #tpu.memory_space<smem>>
    %get3A_471 = arith.constant 0 : index
    %get3A_472 = arith.constant 0 : index
    %get3A_473 = vector.load %arg3[%get3A_471, %get3A_472] : memref<16x1xf32, #tpu.memory_space<vmem>>, vector<16x1xf32>
    %get3A_474 = arith.constant 0 : index
    %get3A_475 = arith.constant 0 : index
    %get3A_476 = vector.load %arg7[%get3A_474, %get3A_475] : memref<1x256xf32, #tpu.memory_space<vmem>>, vector<1x256xf32>
    %mul3A_477 = vector.broadcast %get3A_473 : vector<16x1xf32> to vector<16x256xf32>
    %mul3A_478 = vector.broadcast %get3A_476 : vector<1x256xf32> to vector<16x256xf32>
    %mul3A_479 = arith.mulf %mul3A_477, %mul3A_478 : vector<16x256xf32>
    %get3A_480 = arith.constant 0 : index
    %get3A_481 = arith.constant 0 : index
    %get3A_482 = vector.load %arg4[%get3A_480, %get3A_481] : memref<16x1xf32, #tpu.memory_space<vmem>>, vector<16x1xf32>
    %get3A_483 = arith.constant 0 : index
    %get3A_484 = arith.constant 0 : index
    %get3A_485 = vector.load %arg8[%get3A_483, %get3A_484] : memref<1x256xf32, #tpu.memory_space<vmem>>, vector<1x256xf32>
    %mul3A_486 = vector.broadcast %get3A_482 : vector<16x1xf32> to vector<16x256xf32>
    %mul3A_487 = vector.broadcast %get3A_485 : vector<1x256xf32> to vector<16x256xf32>
    %mul3A_488 = arith.mulf %mul3A_486, %mul3A_487 : vector<16x256xf32>
    %add3A_489 = arith.addf %mul3A_479, %mul3A_488 : vector<16x256xf32>
    %get3A_490 = arith.constant 0 : index
    %get3A_491 = arith.constant 0 : index
    %get3A_492 = vector.load %arg9[%get3A_490, %get3A_491] : memref<1x256xf32, #tpu.memory_space<vmem>>, vector<1x256xf32>
    %mul3A_493 = vector.broadcast %get3A_470 : f32 to vector<1x256xf32>
    %mul3A_494 = arith.mulf %mul3A_493, %get3A_492 : vector<1x256xf32>
    %add3A_495 = vector.broadcast %mul3A_494 : vector<1x256xf32> to vector<16x256xf32>
    %add3A_496 = arith.addf %add3A_489, %add3A_495 : vector<16x256xf32>
    %get3A_497 = arith.constant 0 : index
    %get3A_498 = arith.constant 0 : index
    %get3A_499 = vector.load %arg10[%get3A_497, %get3A_498] : memref<1x256xf32, #tpu.memory_space<vmem>>, vector<1x256xf32>
    %add3A_500 = vector.broadcast %get3A_499 : vector<1x256xf32> to vector<16x256xf32>
    %add3A_501 = arith.addf %add3A_496, %add3A_500 : vector<16x256xf32>
    %convert_element_type3A_502 = arith.truncf %add3A_501 : vector<16x256xf32> to vector<16x256xbf16>
    %broadcast_in_dim3A_503 = vector.shape_cast %convert_element_type3A_502 : vector<16x256xbf16> to vector<1x16x256xbf16>
    %add3A_504 = vector.broadcast %broadcast_in_dim3A_503 : vector<1x16x256xbf16> to vector<256x16x256xbf16>
    %add3A_505 = arith.addf %get3A_4, %add3A_504 : vector<256x16x256xbf16>
    %max3A_506 = arith.constant 0.000000e+00 : bf16
    %max3A_507 = vector.broadcast %max3A_506 : bf16 to vector<256x16x256xbf16>
    %max3A_508 = arith.maximumf %add3A_505, %max3A_507 : vector<256x16x256xbf16>
    %reshape3A_509 = vector.shape_cast %max3A_508 : vector<256x16x256xbf16> to vector<4096x256xbf16>
    %get3A_510 = arith.constant 0 : index
    %get3A_511 = arith.constant 0 : index
    %get3A_512 = vector.load %arg11[%get3A_510, %get3A_511] : memref<256x256xbf16, #tpu.memory_space<vmem>>, vector<256x256xbf16>
    %dot_general3A_513 = arith.constant dense<0.000000e+00> : vector<4096x256xf32>
    %dot_general3A_514 = tpu.matmul %reshape3A_509, %get3A_512, %dot_general3A_513 {dimension_numbers = #tpu.dot_dimension_numbers<[1], [0], [0], [1], [0, 0, 1, 1], [], []>, transpose_lhs_hint = false} : vector<4096x256xbf16>, vector<256x256xbf16>, vector<4096x256xf32> -> vector<4096x256xf32>
    %convert_element_type3A_515 = arith.truncf %dot_general3A_514 : vector<4096x256xf32> to vector<4096x256xbf16>
    %get3A_516 = arith.constant 0 : index
    %get3A_517 = arith.constant 0 : index
    %get3A_518 = vector.load %arg12[%get3A_516, %get3A_517] : memref<1x256xbf16, #tpu.memory_space<vmem>>, vector<1x256xbf16>
    %add3A_519 = vector.broadcast %get3A_518 : vector<1x256xbf16> to vector<4096x256xbf16>
    %add3A_520 = arith.addf %convert_element_type3A_515, %add3A_519 : vector<4096x256xbf16>
    %max3A_521 = arith.constant 0.000000e+00 : bf16
    %max3A_522 = vector.broadcast %max3A_521 : bf16 to vector<4096x256xbf16>
    %max3A_523 = arith.maximumf %add3A_520, %max3A_522 : vector<4096x256xbf16>
    %get3A_524 = arith.constant 0 : index
    %get3A_525 = arith.constant 0 : index
    %get3A_526 = vector.load %arg13[%get3A_524, %get3A_525] : memref<256x64xbf16, #tpu.memory_space<vmem>>, vector<256x64xbf16>
    %dot_general3A_527 = arith.constant dense<0.000000e+00> : vector<4096x64xf32>
    %dot_general3A_528 = tpu.matmul %max3A_523, %get3A_526, %dot_general3A_527 {dimension_numbers = #tpu.dot_dimension_numbers<[1], [0], [0], [1], [0, 0, 1, 1], [], []>, transpose_lhs_hint = false} : vector<4096x256xbf16>, vector<256x64xbf16>, vector<4096x64xf32> -> vector<4096x64xf32>
    %get3A_529 = arith.constant 0 : index
    %get3A_530 = arith.constant 0 : index
    %get3A_531 = vector.load %arg14[%get3A_529, %get3A_530] : memref<1x64xf32, #tpu.memory_space<vmem>>, vector<1x64xf32>
    %add3A_532 = vector.broadcast %get3A_531 : vector<1x64xf32> to vector<4096x64xf32>
    %add3A_533 = arith.addf %dot_general3A_528, %add3A_532 : vector<4096x64xf32>
    %reshape3A_534 = vector.shape_cast %add3A_533 : vector<4096x64xf32> to vector<256x16x64xf32>
    %slice3A_535 = vector.extract_strided_slice %reshape3A_534 {offsets = [0, 0, 0], sizes = [256, 8, 64], strides = [1, 1, 1]} : vector<256x16x64xf32> to vector<256x8x64xf32>
    %slice3A_536 = vector.extract_strided_slice %reshape3A_534 {offsets = [0, 8, 0], sizes = [256, 8, 64], strides = [1, 1, 1]} : vector<256x16x64xf32> to vector<256x8x64xf32>
    %concatenate3A_537 = tpu.concatenate %slice3A_535, %slice3A_536 in 2 : vector<256x8x64xf32>, vector<256x8x64xf32> -> vector<256x8x128xf32>
    %swap3A_538 = arith.constant 0 : index
    %swap3A_539 = arith.constant 48 : index
    %swap3A_540 = arith.constant 0 : index
    %swap3A_541 = vector.load %arg15[%swap3A_538, %swap3A_539, %swap3A_540] : memref<256x64x128xf32, #tpu.memory_space<vmem>>, vector<256x8x128xf32>
    tpu.vector_store %arg15[%swap3A_538, %swap3A_539, %swap3A_540], %concatenate3A_537 {strides = array<i32>} : memref<256x64x128xf32, #tpu.memory_space<vmem>>, vector<256x8x128xf32>,
    %mul3A_542 = arith.constant 8 : i32
    %mul3A_543 = arith.muli %arg1, %mul3A_542 : i32
    %add3A_544 = arith.constant 7 : i32
    %add3A_545 = arith.addi %mul3A_543, %add3A_544 : i32
    %get3A_546 = arith.constant 0 : index
    %get3A_547 = arith.index_cast %add3A_545 : i32 to index
    %get3A_548 = memref.load %arg5[%get3A_546, %get3A_547] : memref<1x32xf32, #tpu.memory_space<smem>>
    %get3A_549 = arith.constant 0 : index
    %get3A_550 = arith.constant 0 : index
    %get3A_551 = vector.load %arg3[%get3A_549, %get3A_550] : memref<16x1xf32, #tpu.memory_space<vmem>>, vector<16x1xf32>
    %get3A_552 = arith.constant 0 : index
    %get3A_553 = arith.constant 0 : index
    %get3A_554 = vector.load %arg7[%get3A_552, %get3A_553] : memref<1x256xf32, #tpu.memory_space<vmem>>, vector<1x256xf32>
    %mul3A_555 = vector.broadcast %get3A_551 : vector<16x1xf32> to vector<16x256xf32>
    %mul3A_556 = vector.broadcast %get3A_554 : vector<1x256xf32> to vector<16x256xf32>
    %mul3A_557 = arith.mulf %mul3A_555, %mul3A_556 : vector<16x256xf32>
    %get3A_558 = arith.constant 0 : index
    %get3A_559 = arith.constant 0 : index
    %get3A_560 = vector.load %arg4[%get3A_558, %get3A_559] : memref<16x1xf32, #tpu.memory_space<vmem>>, vector<16x1xf32>
    %get3A_561 = arith.constant 0 : index
    %get3A_562 = arith.constant 0 : index
    %get3A_563 = vector.load %arg8[%get3A_561, %get3A_562] : memref<1x256xf32, #tpu.memory_space<vmem>>, vector<1x256xf32>
    %mul3A_564 = vector.broadcast %get3A_560 : vector<16x1xf32> to vector<16x256xf32>
    %mul3A_565 = vector.broadcast %get3A_563 : vector<1x256xf32> to vector<16x256xf32>
    %mul3A_566 = arith.mulf %mul3A_564, %mul3A_565 : vector<16x256xf32>
    %add3A_567 = arith.addf %mul3A_557, %mul3A_566 : vector<16x256xf32>
    %get3A_568 = arith.constant 0 : index
    %get3A_569 = arith.constant 0 : index
    %get3A_570 = vector.load %arg9[%get3A_568, %get3A_569] : memref<1x256xf32, #tpu.memory_space<vmem>>, vector<1x256xf32>
    %mul3A_571 = vector.broadcast %get3A_548 : f32 to vector<1x256xf32>
    %mul3A_572 = arith.mulf %mul3A_571, %get3A_570 : vector<1x256xf32>
    %add3A_573 = vector.broadcast %mul3A_572 : vector<1x256xf32> to vector<16x256xf32>
    %add3A_574 = arith.addf %add3A_567, %add3A_573 : vector<16x256xf32>
    %get3A_575 = arith.constant 0 : index
    %get3A_576 = arith.constant 0 : index
    %get3A_577 = vector.load %arg10[%get3A_575, %get3A_576] : memref<1x256xf32, #tpu.memory_space<vmem>>, vector<1x256xf32>
    %add3A_578 = vector.broadcast %get3A_577 : vector<1x256xf32> to vector<16x256xf32>
    %add3A_579 = arith.addf %add3A_574, %add3A_578 : vector<16x256xf32>
    %convert_element_type3A_580 = arith.truncf %add3A_579 : vector<16x256xf32> to vector<16x256xbf16>
    %broadcast_in_dim3A_581 = vector.shape_cast %convert_element_type3A_580 : vector<16x256xbf16> to vector<1x16x256xbf16>
    %add3A_582 = vector.broadcast %broadcast_in_dim3A_581 : vector<1x16x256xbf16> to vector<256x16x256xbf16>
    %add3A_583 = arith.addf %get3A_4, %add3A_582 : vector<256x16x256xbf16>
    %max3A_584 = arith.constant 0.000000e+00 : bf16
    %max3A_585 = vector.broadcast %max3A_584 : bf16 to vector<256x16x256xbf16>
    %max3A_586 = arith.maximumf %add3A_583, %max3A_585 : vector<256x16x256xbf16>
    %reshape3A_587 = vector.shape_cast %max3A_586 : vector<256x16x256xbf16> to vector<4096x256xbf16>
    %get3A_588 = arith.constant 0 : index
    %get3A_589 = arith.constant 0 : index
    %get3A_590 = vector.load %arg11[%get3A_588, %get3A_589] : memref<256x256xbf16, #tpu.memory_space<vmem>>, vector<256x256xbf16>
    %dot_general3A_591 = arith.constant dense<0.000000e+00> : vector<4096x256xf32>
    %dot_general3A_592 = tpu.matmul %reshape3A_587, %get3A_590, %dot_general3A_591 {dimension_numbers = #tpu.dot_dimension_numbers<[1], [0], [0], [1], [0, 0, 1, 1], [], []>, transpose_lhs_hint = false} : vector<4096x256xbf16>, vector<256x256xbf16>, vector<4096x256xf32> -> vector<4096x256xf32>
    %convert_element_type3A_593 = arith.truncf %dot_general3A_592 : vector<4096x256xf32> to vector<4096x256xbf16>
    %get3A_594 = arith.constant 0 : index
    %get3A_595 = arith.constant 0 : index
    %get3A_596 = vector.load %arg12[%get3A_594, %get3A_595] : memref<1x256xbf16, #tpu.memory_space<vmem>>, vector<1x256xbf16>
    %add3A_597 = vector.broadcast %get3A_596 : vector<1x256xbf16> to vector<4096x256xbf16>
    %add3A_598 = arith.addf %convert_element_type3A_593, %add3A_597 : vector<4096x256xbf16>
    %max3A_599 = arith.constant 0.000000e+00 : bf16
    %max3A_600 = vector.broadcast %max3A_599 : bf16 to vector<4096x256xbf16>
    %max3A_601 = arith.maximumf %add3A_598, %max3A_600 : vector<4096x256xbf16>
    %get3A_602 = arith.constant 0 : index
    %get3A_603 = arith.constant 0 : index
    %get3A_604 = vector.load %arg13[%get3A_602, %get3A_603] : memref<256x64xbf16, #tpu.memory_space<vmem>>, vector<256x64xbf16>
    %dot_general3A_605 = arith.constant dense<0.000000e+00> : vector<4096x64xf32>
    %dot_general3A_606 = tpu.matmul %max3A_601, %get3A_604, %dot_general3A_605 {dimension_numbers = #tpu.dot_dimension_numbers<[1], [0], [0], [1], [0, 0, 1, 1], [], []>, transpose_lhs_hint = false} : vector<4096x256xbf16>, vector<256x64xbf16>, vector<4096x64xf32> -> vector<4096x64xf32>
    %get3A_607 = arith.constant 0 : index
    %get3A_608 = arith.constant 0 : index
    %get3A_609 = vector.load %arg14[%get3A_607, %get3A_608] : memref<1x64xf32, #tpu.memory_space<vmem>>, vector<1x64xf32>
    %add3A_610 = vector.broadcast %get3A_609 : vector<1x64xf32> to vector<4096x64xf32>
    %add3A_611 = arith.addf %dot_general3A_606, %add3A_610 : vector<4096x64xf32>
    %reshape3A_612 = vector.shape_cast %add3A_611 : vector<4096x64xf32> to vector<256x16x64xf32>
    %slice3A_613 = vector.extract_strided_slice %reshape3A_612 {offsets = [0, 0, 0], sizes = [256, 8, 64], strides = [1, 1, 1]} : vector<256x16x64xf32> to vector<256x8x64xf32>
    %slice3A_614 = vector.extract_strided_slice %reshape3A_612 {offsets = [0, 8, 0], sizes = [256, 8, 64], strides = [1, 1, 1]} : vector<256x16x64xf32> to vector<256x8x64xf32>
    %concatenate3A_615 = tpu.concatenate %slice3A_613, %slice3A_614 in 2 : vector<256x8x64xf32>, vector<256x8x64xf32> -> vector<256x8x128xf32>
    %swap3A_616 = arith.constant 0 : index
    %swap3A_617 = arith.constant 56 : index
    %swap3A_618 = arith.constant 0 : index
    %swap3A_619 = vector.load %arg15[%swap3A_616, %swap3A_617, %swap3A_618] : memref<256x64x128xf32, #tpu.memory_space<vmem>>, vector<256x8x128xf32>
    tpu.vector_store %arg15[%swap3A_616, %swap3A_617, %swap3A_618], %concatenate3A_615 {strides = array<i32>} : memref<256x64x128xf32, #tpu.memory_space<vmem>>, vector<256x8x128xf32>,
    return
  }
  func.func @transform_0(%arg0: i32, %arg1: i32) -> (i32, i32) {
    %c0_i32 = arith.constant 0 : i32
    %c0_i32_0 = arith.constant 0 : i32
    return %arg0, %c0_i32 : i32, i32
  }
  func.func @transform_1(%arg0: i32, %arg1: i32) -> (i32, i32) {
    %c0_i32 = arith.constant 0 : i32
    %c0_i32_0 = arith.constant 0 : i32
    %c0_i32_1 = arith.constant 0 : i32
    return %c0_i32, %c0_i32_0 : i32, i32
  }
  func.func @transform_2(%arg0: i32, %arg1: i32) -> (i32, i32) {
    %c0_i32 = arith.constant 0 : i32
    %c0_i32_0 = arith.constant 0 : i32
    %c0_i32_1 = arith.constant 0 : i32
    return %c0_i32, %c0_i32_0 : i32, i32
  }
  func.func @transform_3(%arg0: i32, %arg1: i32) -> (i32, i32) {
    %c0_i32 = arith.constant 0 : i32
    %c0_i32_0 = arith.constant 0 : i32
    %c0_i32_1 = arith.constant 0 : i32
    return %c0_i32, %c0_i32_0 : i32, i32
  }
  func.func @transform_4(%arg0: i32, %arg1: i32) -> (i32, i32) {
    %c0_i32 = arith.constant 0 : i32
    %c0_i32_0 = arith.constant 0 : i32
    %c0_i32_1 = arith.constant 0 : i32
    return %c0_i32, %c0_i32_0 : i32, i32
  }
  func.func @transform_5(%arg0: i32, %arg1: i32) -> (i32, i32) {
    %c0_i32 = arith.constant 0 : i32
    %c0_i32_0 = arith.constant 0 : i32
    %c0_i32_1 = arith.constant 0 : i32
    return %c0_i32, %c0_i32_0 : i32, i32
  }
  func.func @transform_6(%arg0: i32, %arg1: i32) -> (i32, i32) {
    %c0_i32 = arith.constant 0 : i32
    %c0_i32_0 = arith.constant 0 : i32
    %c0_i32_1 = arith.constant 0 : i32
    return %c0_i32, %c0_i32_0 : i32, i32
  }
  func.func @transform_7(%arg0: i32, %arg1: i32) -> (i32, i32) {
    %c0_i32 = arith.constant 0 : i32
    %c0_i32_0 = arith.constant 0 : i32
    %c0_i32_1 = arith.constant 0 : i32
    return %c0_i32, %c0_i32_0 : i32, i32
  }
  func.func @transform_8(%arg0: i32, %arg1: i32) -> (i32, i32) {
    %c0_i32 = arith.constant 0 : i32
    %c0_i32_0 = arith.constant 0 : i32
    %c0_i32_1 = arith.constant 0 : i32
    return %c0_i32, %c0_i32_0 : i32, i32
  }
  func.func @transform_9(%arg0: i32, %arg1: i32) -> (i32, i32) {
    %c0_i32 = arith.constant 0 : i32
    %c0_i32_0 = arith.constant 0 : i32
    %c0_i32_1 = arith.constant 0 : i32
    return %c0_i32, %c0_i32_0 : i32, i32
  }
  func.func @transform_10(%arg0: i32, %arg1: i32) -> (i32, i32) {
    %c0_i32 = arith.constant 0 : i32
    %c0_i32_0 = arith.constant 0 : i32
    %c0_i32_1 = arith.constant 0 : i32
    return %c0_i32, %c0_i32_0 : i32, i32
  }
  func.func @transform_11(%arg0: i32, %arg1: i32) -> (i32, i32) {
    %c0_i32 = arith.constant 0 : i32
    %c0_i32_0 = arith.constant 0 : i32
    %c0_i32_1 = arith.constant 0 : i32
    return %c0_i32, %c0_i32_0 : i32, i32
  }
  func.func @transform_12(%arg0: i32, %arg1: i32) -> (i32, i32) {
    %c0_i32 = arith.constant 0 : i32
    %c0_i32_0 = arith.constant 0 : i32
    %c0_i32_1 = arith.constant 0 : i32
    return %c0_i32, %c0_i32_0 : i32, i32
  }
  func.func @transform_13(%arg0: i32, %arg1: i32) -> (i32, i32, i32) {
    %c0_i32 = arith.constant 0 : i32
    %c0_i32_0 = arith.constant 0 : i32
    return %arg0, %arg1, %c0_i32 : i32, i32, i32
  }
}

</mosaic_0001>

<sc_bundles>
// kernel: sparse-core-data-format-call.cloned.1.call-start
scs
called_computation_lowered:
.L_overlay_start_0:
0x0: {  	s2 =	sld [smem:$0x3FD9]  }
0x1: {  	s3 =	sld [smem:$0x3FFE];
	_ =	sdelay $0x1  }
0x2: {  	s1 =	srdreg.scid  }
0x3: {  	s0 =	sand.u32 $0x1, s1  }
0x4: {  	s18 =	sshll.u32 s0, $0xA;
	s2 =	sadd.s32 s3, s2  }
0x5: {  	s2 =	sadd.s32 s2, s18  }
0x6: {  	[smem:$0x3FC0] =	sst s2  }
0x7: {  	_ = 	snop  }
0x8: {  	s2 =	sld [smem:$0x3FD0];
	(tm) =	ssettm $0x1  }
0x9: {  	s19 =	sld [smem:$0x3FFB];
	_ =	sdelay $0x3  }
0xa: {  	_ =	strace s19  }
0xb: {  	s3 =	sld [smem:$0x3FFC];
	_ =	sdelay $0x3  }
0xc: {  	_ =	strace s3  }
0xd: {  	s3 =	sld [smem:$0x3FFD];
	_ =	sdelay $0x3  }
0xe: {  	_ =	strace s3  }
0xf: {  	_ =	strace $0x8FFFFFFF  }
0x10: {  	s20 =	sld [smem:$0x3FDB];
	_ =	sdelay $0x1  }
0x11: {  	s4 =	simm.s32 $_scs_section_size  }
0x12: {  	s5 =	simm.s32 $_size__tile_overlayer_lowered;
	s6 =	simm.s32 $_tile_overlayer_lowered  }
0x13: {  	s23 =	simm.s32 $0x1BFF;
	s22 =	sshll.u32 s6, $0x1;
	s3 =	sadd.s32 s4, s20  }
0x14: {  	s7 =	simm.s32 $0x0;
	s21 =	sshll.u32 s5, $0x1;
	s5 =	sadd.s32 s22, s3  }
0x15: {  	[timem:s7], [sflag:s23] =	dma.local [hbm:s5], s21  }
0x16: {  	_ =	swait.ge [sflag:s23], s21  }
0x17: {  	s4 =	ssub.s32 $0x0, s21;
	[sflag:s23] =	ssyncset.done $0x0  }
0x18: {  	[sflag:s23] =	ssyncadd.s32 s4;
	_ =	sdelay $0x1  }
0x19: {  	s24 =	simm.s32 $0x1B8B  }
0x1a: {  	_ =	swait.ge [sflag:s24], $0x1  }
0x1b: {  	[sflag:s24] =	ssyncset.done $0x0  }
0x1c: {  	s26 =	simm.s32 $0x1B8E;
	s25 =	sld [smem:$0x3FFE];
	[sflag:s24] =	ssyncadd.s32 $0xFFFFFFFF  }
0x1d: {  	s27 =	simm.s32 $execute0_lowered;
	[smem:$0x3FD2] =	sst s26  }
0x1e: {  	s5 =	sshll.u32 s27, $0x1;
	_ =	strace $0x80000046;
	[dreg:$0x1] =	wrdreg $0xFFFFFFFF  }
0x1f: {  	s28 =	simm.s32 $_size_execute0_lowered;
	s3 =	sadd.s32 s3, s5;
	[dreg:$0x0] =	wrdreg $0x0  }
0x20: {  	s5 =	sshll.u32 s28, $0x1;
	[dreg:$0x2] =	wrdreg s3  }
0x21: {  	[dreg:$0x3] =	wrdreg s5  }
0x22: {  	[dreg:$0x4] =	wrdreg $0xC0  }
0x23: {  	_ =	task [dreg:s7], $0x5FFFF  }
0x24: {  	[dreg:$0x1] =	wrdreg $0xFFFFFFFF  }
0x25: {  	[dreg:$0x0] =	wrdreg $0x60  }
0x26: {  	[dreg:$0x2] =	wrdreg s25  }
0x27: {  	[dreg:$0x3] =	wrdreg s2  }
0x28: {  	[dreg:$0x4] =	wrdreg $0x9  }
0x29: {  	_ =	task.clear_ibuf [dreg:s7], $0x5FFFF;
	_ =	strace $0x90000046  }
0x2a: {  	s29 =	simm.s32 $0x9;
	_ =	strace $0x80000048  }
0x2b: {  	_ =	swait.ge [sflag:s29], $0x1  }
0x2c: {  	[sflag:s29] =	ssyncadd.s32 $0xFFFFFFFF  }
0x2d: {  	_ =	strace $0x90000048  }
0x2e: {  	_ =	sfence  }
0x2f: {  	s30 =	sld [smem:$0x0];
	_ =	sdelay $0x2  }
0x30: {  	s31 =	sshll.u32 s1, $0xD;
	s1 =	sshrl.u32 s1, $0x2  }
0x31: {  	s3 =	sand.u32 $0x4000, s31;
	s1 =	sadd.s32 s1, s30  }
0x32: {  	s0 =	sor.u32 s3, s0;
	s1 =	sshll.u32 s1, $0x11  }
0x33: {  	s0 =	sor.u32 s1, s0  }
0x34: {  	s0 =	sadd.s32 $0x8F2B, s0  }
0x35: {  	[sflag:s0] =	ssyncadd.remote.s32 $0x1  }
0x36: {  	_ =	sfence.sel $0xFFFF  }
0x37: {  	[dreg:$0x0] =	wrdreg $0xFFFFFFFF;
	(pc) =	sbr.abs _section_cstart, $3  }
0x38: {  	[dreg:$0x1] =	wrdreg $0xFFFFFFFF  }
0x39: {  	_ =	task.clear_ibuf [dreg:s7], $0x2FFFF;
	_ =	strace $0x9FFFFFFF  }
0x3a: {  	(tm) =	ssettm $0x7FFFFFFF  }
0x3b: {  	_ =	shalt  }
tec
execute0_lowered:
.L_overlay_start_1:
0x0: {  	(tag) =	ssettag $0x1  }
0x1: {  	s4 =	rddreg [dreg:$0x0]  }
0x2: {  	s0 =	stileid.u32;
	s2 =	rddreg [dreg:$0x1]  }
0x3: {  	s1 =	rddreg [dreg:$0x2];
	_ =	strace $0x80000047;
	s5 =	srdreg.scid  }
0x4: {  	s31 =	simm.s32 $0x2;
	s14 =	simm.s32 $0x0;
	s9 =	simm.s32 $0x8000  }
0x5: {  	s16 =	simm.s32 $0x0;
	s15 =	simm.s32 $0x0;
	s3 =	sshll.u32 s0, $0x7  }
0x6: {  	s10 =	simm.s32 $0x0;
	s5 =	sshll.u32 s5, $0x4;
	s3 =	sand.u32 $0x380, s3  }
0x7: {  	s13 =	simm.s32 $0x0;
	s5 =	sand.u32 $0x10, s5;
	s6 =	ssub.s32 $0x400, s3  }
0x8: {  	s4 =	sadd.s32 $0x1000, s4;
	s5 =	sor.u32 s0, s5;
	s7 =	sand.u32 $0x380, s6  }
.Ltmp0:
0x9: {  	p0 =	sne.s32 s7, $0x0;
	s7 =	simm.s32 $0x1;
	(pc) =	sbr.rel .LBB1_1-.Ltmp0, $4  }
0xa: {  	s12 =	smov.u32 s3;
	s8 =	sshrl.u32 s6, $0xA;
	s7 =	simm.s32 @!p0 $0x0  }
0xb: {  	s5 =	sshrl.u32 s5, $0x3;
	s6 =	simm.s32 $0x1;
	s7 =	sadd.s32 s7, s8  }
0xc: {  	[sflag:s6] =	ssyncpa.u1 $0x0;
	s11 =	smov.u32 s5;
	s7 =	sshll.u32 s7, $0x5  }
0xd: {  	[sflag:s31] =	ssyncpa.u1 $0x0;
	p0 =	por $0x0, $0x0;
	s8 =	sor.u32 $0x1, s7  }
.LBB1_4:
0xe: {  	v5 =	vld [tilespmem:s20+$0xFFFFFFD0];
	[tilespmem:s19+$0x2040 ss:$0x81] =	vst.msk $0xffff, v1  }
0xf: {  	v58 =	vld [tilespmem:s20+$0xFFFFFFE0];
	[tilespmem:s19+$0x2850 ss:$0x81] =	vst.msk $0xffff, v2  }
0x10: {  	s21 =	sshra.s32 s21, $0x2;
	v59 =	vld [tilespmem:s20+$0xFFFFFFF0];
	[tilespmem:s19+$0x3060 ss:$0x81] =	vst.msk $0xffff, v3  }
0x11: {  	v60 =	vld [tilespmem:s20+$0x0];
	[tilespmem:s19+$0x0 ss:$0x81] =	vst.msk $0xffff, v0;
	s18 =	sadd.s32 s21, s18  }
0x12: {  	v61 =	vld [tilespmem:s20+$0x10];
	[tilespmem:s18+$0x3870 ss:$0x81] =	vst.msk $0xffff, v4  }
0x13: {  	v62 =	vld [tilespmem:s20+$0x20];
	s26 =	sshll.u32 s16, $0xA;
	s27 =	sshll.u32 s15, $0x3;
	[tilespmem:s18+$0x810 ss:$0x81] =	vst.msk $0xffff, v5  }
0x14: {  	v63 =	vld [tilespmem:s20+$0xFFFFFFC0];
	s29 =	sshll.u32 s16, $0x7;
	s30 =	sand.u32 $0x78, s15;
	s14 =	sshll.u32 s14, $0xC;
	[tilespmem:s18+$0x1020 ss:$0x81] =	vst.msk $0xffff, v58  }
0x15: {  	s19 =	sand.u32 $0x6000, s26;
	s28 =	sand.u32 $0x7C00, s27;
	s16 =	sand.u32 $0x380, s29;
	[tilespmem:s18+$0x1830 ss:$0x81] =	vst.msk $0xffff, v59  }
0x16: {  	s31 =	sand.u32 $0x7, s15;
	s19 =	sadd.s32 s28, s19;
	s16 =	sor.u32 s30, s16;
	[tilespmem:s18+$0x2040 ss:$0x81] =	vst.msk $0xffff, v60  }
0x17: {  	s14 =	sadd.s32 s2, s14;
	s19 =	sshrl.u32 s19, $0x3;
	s16 =	sshrl.u32 s16, $0x3;
	[tilespmem:s18+$0x2850 ss:$0x81] =	vst.msk $0xffff, v61  }
0x18: {  	s15 =	sshll.u32 s31, $0x12;
	s19 =	sand.u32 $0xF80, s19;
	s14 =	sadd.s32 s16, s14;
	[tilespmem:s18+$0x3060 ss:$0x81] =	vst.msk $0xffff, v62  }
0x19: {  	s15 =	sor.u32 $0x80, s15;
	[tilespmem:s18+$0x0 ss:$0x81] =	vst.msk $0xffff, v63;
	s14 =	sadd.s32 s19, s14  }
0x1a: {  	[hbm4b:s14+s15] =	stream.strided.scatter [tilespmem:s17], [sflag:$0x2], $0x4000, s9, s15, $0x20;
	[tilespmem:$0x10100] =	vst v63  }
.LBB1_5:
0x1b: {  	s17 =	sadd.s32 $0x80, s10  }
0x1c: {  	s14 =	sadd.s32 $0x4, s11;
	s18 =	smov.u32 s11;
	p2 =	sgt.s32 s17, $0x1FF  }
0x1d: {  	s18 =	smov.u32 @p2 s14  }
0x1e: {  	s20 =	smov.u32 s12;
	s14 =	sadd.s32 $0x400, s12;
	p3 =	sgt.s32 s18, $0x1F  }
0x1f: {  	s20 =	smov.u32 @p3 s14  }
0x20: {  	s17 =	simm.s32 @p2 $0x0;
	p2 =	sgt.s32 s20, $0x3FF  }
0x21: {  	p1 =	slt.u32 s13, $0x2;
	s20 =	smov.u32 @p2 s3;
	p2 =	sne.s32 s13, s8  }
.Ltmp1:
0x22: {  	s19 =	simm.s32 @!p1 $0x2;
	(pc) =	sbr.rel @!p2 .LBB1_6-.Ltmp1, $4  }
0x23: {  	s16 =	smov.u32 s11;
	s15 =	smov.u32 s12;
	_ =	swait.ge @!p1 [sflag:s19], $0x4000  }
0x24: {  	p0 =	por !p0, !p0;
	[sflag:s19] =	ssyncset.done @!p1 $0x0;
	s18 =	smov.u32 @p3 s5  }
0x25: {  	s14 =	smov.u32 s10;
	[sflag:s19] =	ssyncadd.s32 @!p1 $0xFFFFC000;
	s10 =	smov.u32 s17  }
0x26: {  	s11 =	smov.u32 s18;
	s13 =	sadd.s32 $0x1, s13;
	s12 =	smov.u32 s20  }
.LBB1_1:
0x27: {  	p1 =	sge.u32 s13, s7  }
0x28: {  	s31 =	sadd.s32 $0xFFFFFFFF, s13;
	s17 =	sxor.u32 @!p1 $0xFFFFFFFF, s13  }
0x29: {  	s18 =	sshll.u32 @!p1 s11, $0x9;
	s19 =	sshll.u32 @!p1 s10, $0x3;
	s20 =	sshll.u32 @!p1 s11, $0x7  }
0x2a: {  	s21 =	sand.u32 @!p1 $0x78, s10;
	s18 =	sand.u32 @!p1 $0x3000, s18;
	s19 =	sand.u32 @!p1 $0x3C00, s19  }
0x2b: {  	s17 =	sshll.u32 @!p1 s17, $0xE;
	s18 =	sadd.s32 @!p1 s18, s19;
	s19 =	sand.u32 @!p1 $0x200, s20  }
0x2c: {  	s17 =	sand.u32 @!p1 $0x4000, s17;
	s18 =	sor.u32 @!p1 s19, s18;
	s19 =	sand.u32 @!p1 $0x180, s20  }
0x2d: {  	s20 =	sshll.u32 @!p1 s12, $0xB;
	s19 =	sor.u32 @!p1 s21, s19;
	s18 =	sshrl.u32 @!p1 s18, $0x3  }
0x2e: {  	s20 =	sadd.s32 @!p1 s4, s20;
	s21 =	sand.u32 @!p1 $0x7, s10;
	s19 =	sshrl.u32 @!p1 s19, $0x3  }
0x2f: {  	s18 =	sand.u32 @!p1 $0x7C0, s18;
	s19 =	sadd.s32 @!p1 s19, s20;
	s20 =	sshll.u32 @!p1 s21, $0x12  }
0x30: {  	s18 =	sadd.s32 @!p1 s18, s19;
	s19 =	sor.u32 @!p1 $0x80, s20;
	s20 =	simm.s32 @!p1 $0x4000  }
0x31: {  	[tilespmem:s17], [sflag:$0x1] =	stream.strided.gather @!p1 [hbm4b:s18+s19], $0x4000, s20, s19, $0x38;
	[tilespmem:$0x10100] =	vst v63  }
0x32: {  	p1 =	sge.u32 s31, s7  }
.Ltmp2:
0x33: {  	_ = 	snop;
	(pc) =	sbr.rel @p1 .LBB1_5-.Ltmp2, $1  }
0x34: {  	_ =	sdelay $0x3  }
0x35: {  	s17 =	simm.s32 $0x1  }
0x36: {  	_ =	swait.ge [sflag:s6], $0x4000;
	s17 =	simm.s32 @!p0 $0x0  }
0x37: {  	[sflag:s6] =	ssyncset.done $0x0;
	s18 =	sshll.u32 s17, $0xE  }
0x38: {  	[sflag:s6] =	ssyncadd.s32 $0xFFFFC000;
	s20 =	sor.u32 $0x40, s18  }
0x39: {  	s17 =	smul.u32 $0x10200, s17;
	v0 =	vld [tilespmem:s20+$0x30]  }
0x3a: {  	v3 =	vld [tilespmem:s20+$0xFFFFFFD0]  }
0x3b: {  	s17 =	sshrl.u32 s17, $0x2;
	v4 =	vld [tilespmem:s20+$0xFFFFFFE0]  }
0x3c: {  	v5 =	vld [tilespmem:s20+$0xFFFFFFF0];
	s18 =	sor.u32 $0x8000, s17  }
0x3d: {  	s31 =	sand.u32 $0x1, s13;
	v1 =	vld [tilespmem:s20+$0x0];
	s19 =	sadd.s32 $0x0, s18  }
0x3e: {  	v2 =	vld [tilespmem:s20+$0x10];
	s17 =	smul.u32 $0x10200, s31;
	[tilespmem:s19+$0x3870 ss:$0x81] =	vst.msk $0xffff, v0  }
0x3f: {  	[tilespmem:s19+$0x810 ss:$0x81] =	vst.msk $0xffff, v3;
	v3 =	vld [tilespmem:s20+$0x20]  }
0x40: {  	s17 =	sshrl.u32 s17, $0x2;
	v0 =	vld [tilespmem:s20+$0xFFFFFFC0];
	[tilespmem:s19+$0x1020 ss:$0x81] =	vst.msk $0xffff, v4;
	s20 =	sadd.s32 $0x80, s20  }
0x41: {  	s21 =	simm.s32 $0x4;
	s22 =	simm.s32 $0x8;
	s17 =	sor.u32 $0x8000, s17;
	[tilespmem:s19+$0x1830 ss:$0x81] =	vst.msk $0xffff, v5;
	v4 =	vld [tilespmem:s20+$0x30]  }
.LBB1_3:
0x42: {  	p1 =	sne.s32 s22, $0x1FC;
	v5 =	vld [tilespmem:s20+$0xFFFFFFD0];
	[tilespmem:s19+$0x2040 ss:$0x81] =	vst.msk $0xffff, v1  }
0x43: {  	v6 =	vld [tilespmem:s20+$0xFFFFFFE0];
	[tilespmem:s19+$0x2850 ss:$0x81] =	vst.msk $0xffff, v2  }
0x44: {  	s23 =	sshra.s32 s21, $0x2;
	s21 =	smov.u32 s22;
	v7 =	vld [tilespmem:s20+$0xFFFFFFF0];
	[tilespmem:s19+$0x3060 ss:$0x81] =	vst.msk $0xffff, v3  }
.Ltmp3:
0x45: {  	v1 =	vld [tilespmem:s20+$0x0];
	[tilespmem:s19+$0x0 ss:$0x81] =	vst.msk $0xffff, v0;
	s19 =	sadd.s32 s23, s18;
	(pc) =	sbr.rel @p1 .LBB1_3-.Ltmp3, $4  }
0x46: {  	v2 =	vld [tilespmem:s20+$0x10];
	[tilespmem:s19+$0x3870 ss:$0x81] =	vst.msk $0xffff, v4  }
0x47: {  	[tilespmem:s19+$0x810 ss:$0x81] =	vst.msk $0xffff, v5;
	v3 =	vld [tilespmem:s20+$0x20]  }
0x48: {  	v0 =	vld [tilespmem:s20+$0xFFFFFFC0];
	[tilespmem:s19+$0x1020 ss:$0x81] =	vst.msk $0xffff, v6;
	s20 =	sadd.s32 $0x80, s20  }
0x49: {  	s22 =	sadd.s32 $0x4, s22;
	v4 =	vld [tilespmem:s20+$0x30];
	[tilespmem:s19+$0x1830 ss:$0x81] =	vst.msk $0xffff, v7  }
.Ltmp4:
0x4a: {  	_ = 	snop;
	(pc) =	sbr.rel .LBB1_4-.Ltmp4, $1  }
0x4b: {  	_ =	sdelay $0x3  }
.LBB1_6:
0x4c: {  	_ =	sfence.sel $0x180000  }
0x4d: {  	s2 =	simm.s32 $0x1;
	[bflag:$0x0] =	sbarrier.arrive $0xFFFF  }
0x4e: {  	s31 =	simm.s32 $0x2;
	[sflag:s2] =	ssyncpa.u1 $0x1  }
0x4f: {  	[sflag:s31] =	ssyncpa.u1 $0x1  }
0x50: {  	p0 =	sne.s32 s0, $0x0;
	_ =	strace $0x90000047  }
0x51: {  	s0 =	sadd.s32 @!p0 $0x100000, s1;
	[bflag:$0x2] =	sbarrier.arrive $0xFFFF  }
0x52: {  	[sflag:s0] =	ssyncadd.tile.s32 @!p0 $0x1;
	_ =	shalt  }
.Lfunc_end1:
_tile_overlayer_lowered:
.L_overlay_start_2:
0x53: {  	(tag) =	ssettag $0x2  }
0x54: {  	s0 =	rddreg [dreg:$0x0];
	s2 =	stileid.u32  }
0x55: {  	s1 =	rddreg [dreg:$0x1];
	p0 =	sne.s32 s2, $0x0  }
0x56: {  	s3 =	rddreg [dreg:$0x2];
	[bflag:$0x3] =	sbarrier.arrive $0xFFFF;
	s2 =	simm.s32 @!p0 $0x1C01  }
0x57: {  	[timem:s3], [sflag:s2] =	dma.local @!p0 [hbm:s0], s1  }
0x58: {  	s0 =	simm.s32 @!p0 $0x1  }
0x59: {  	_ =	swait.ge @!p0 [sflag:s0], s1  }
0x5a: {  	s1 =	ssub.s32 @!p0 $0x0, s1;
	[sflag:s0] =	ssyncset.done @!p0 $0x0  }
0x5b: {  	[sflag:s0] =	ssyncadd.s32 @!p0 s1  }
0x5c: {  	[bflag:$0x3] =	sbarrier.arrive $0xFFFF  }
0x5d: {  	_ =	shalt  }

</sc_bundles>
